<compile_context>
chip_gen: v7x
topology: tpu7x:2x2x1
jax: 0.10.2.dev20260603
libtpu: 0.0.44.dev20260713+nightly
codegen_flags: <defaults>
</compile_context>

<pallas_src>
import functools
import math

import jax
import jax.numpy as jnp
from jax import lax
from jax.experimental import pallas as pl
from jax.experimental.pallas import tpu as pltpu
from jax.experimental.pallas import tpu_sc as plsc

N = 10000
M = 16
AF = 128
NF = 16
H = 16
D = AF // H

E = N * M
NW = 32
ROWS_W = E // NW
CH = 40
NCH = ROWS_W // CH

BA = 2000
BC = 400
EC = BC * M



def _proj_body(x_ref, w_ref, b_ref, q_ref, kv_ref):
    y = jnp.dot(x_ref[:], w_ref[:], preferred_element_type=jnp.float32) + b_ref[:]
    q_ref[:] = y[:, :AF]
    kb = lax.bitcast_convert_type(y[:, AF:2 * AF].astype(jnp.bfloat16), jnp.uint16).astype(jnp.uint32)
    vb = lax.bitcast_convert_type(y[:, 2 * AF:].astype(jnp.bfloat16), jnp.uint16).astype(jnp.uint32)
    kv_ref[:] = lax.bitcast_convert_type((vb << 16) | kb, jnp.float32)


def _qkv(atom, wqkv, bqkv):
    return pl.pallas_call(
        _proj_body,
        grid=(N // BA,),
        in_specs=[
            pl.BlockSpec((BA, AF), lambda i: (i, 0)),
            pl.BlockSpec((AF, 3 * AF), lambda i: (0, 0)),
            pl.BlockSpec((1, 3 * AF), lambda i: (0, 0)),
        ],
        out_specs=[
            pl.BlockSpec((BA, AF), lambda i: (i, 0)),
            pl.BlockSpec((BA, AF), lambda i: (i, 0)),
        ],
        out_shape=[
            jax.ShapeDtypeStruct((N, AF), jnp.float32),
            jax.ShapeDtypeStruct((N, AF), jnp.float32),
        ],
    )(atom, wqkv, bqkv)



def _gather_part(kv, idx3d, nch):
    rows_w = nch * CH
    e_h = NW * rows_w
    mesh = plsc.VectorSubcoreMesh(core_axis_name="c", subcore_axis_name="s")

    @functools.partial(
        pl.kernel,
        mesh=mesh,
        out_type=jax.ShapeDtypeStruct((e_h, AF), jnp.float32),
        scratch_types=[
            pltpu.VMEM((nch, CH), jnp.int32),
            pltpu.VMEM((CH, AF), jnp.float32),
            pltpu.VMEM((CH, AF), jnp.float32),
            pltpu.SemaphoreType.DMA,
            pltpu.SemaphoreType.DMA,
            pltpu.SemaphoreType.DMA,
            pltpu.SemaphoreType.DMA,
        ],
    )
    def k(kv_hbm, idx_hbm, out_hbm, idx_v, rows_a, rows_b, sg_a, sg_b, sw_a, sw_b):
        wid = lax.axis_index("s") * 2 + lax.axis_index("c")
        pltpu.sync_copy(idx_hbm.at[wid], idx_v)
        base = wid * rows_w

        def g_start(i, buf, sem):
            pltpu.async_copy(kv_hbm.at[idx_v.at[i]], buf, sem)

        def g_wait(i, buf, sem):
            pltpu.make_async_copy(kv_hbm.at[idx_v.at[i]], buf, sem).wait()

        def w_start(i, buf, sem):
            pltpu.async_copy(buf, out_hbm.at[pl.ds(base + i * CH, CH)], sem)

        def w_wait(i, buf, sem):
            pltpu.make_async_copy(buf, out_hbm.at[pl.ds(base + i * CH, CH)], sem).wait()

        g_start(0, rows_a, sg_a)

        def body(j, carry):
            i = 2 * j
            g_start(i + 1, rows_b, sg_b)
            g_wait(i, rows_a, sg_a)
            w_start(i, rows_a, sw_a)
            w_wait(i, rows_a, sw_a)
            g_start(i + 2, rows_a, sg_a)
            g_wait(i + 1, rows_b, sg_b)
            w_start(i + 1, rows_b, sw_b)
            w_wait(i + 1, rows_b, sw_b)
            return carry

        lax.fori_loop(0, (nch - 1) // 2, body, 0)
        if nch % 2 == 1:
            g_wait(nch - 1, rows_a, sg_a)
            w_start(nch - 1, rows_a, sw_a)
            w_wait(nch - 1, rows_a, sw_a)
        else:
            g_start(nch - 1, rows_b, sg_b)
            g_wait(nch - 2, rows_a, sg_a)
            w_start(nch - 2, rows_a, sw_a)
            w_wait(nch - 2, rows_a, sw_a)
            g_wait(nch - 1, rows_b, sg_b)
            w_start(nch - 1, rows_b, sw_b)
            w_wait(nch - 1, rows_b, sw_b)

    return k(kv, idx3d)



def _attn_body(g_ref, nbr_ref, q_ref, atom_ref, wn_ref, wo_ref, gp_ref, out_ref):
    hl = lax.broadcasted_iota(jnp.int32, (AF, H), 0)
    hh = lax.broadcasted_iota(jnp.int32, (AF, H), 1)
    s_mat = (hl // D == hh).astype(jnp.float32)
    qa = lax.broadcasted_iota(jnp.int32, (AF, AF), 0)
    qb = lax.broadcasted_iota(jnp.int32, (AF, AF), 1)
    qfold = (qa % D == qb % D).astype(jnp.float32)
    row_m = lax.broadcasted_iota(jnp.int32, (EC, AF), 0) % M
    lane_g = lax.broadcasted_iota(jnp.int32, (EC, AF), 1) // D
    mask = row_m == lane_g

    gp = gp_ref[:]
    gw = lax.bitcast_convert_type(g_ref[:], jnp.uint32)
    kw = lax.bitcast_convert_type(gw << 16, jnp.float32)
    vw = lax.bitcast_convert_type(gw & jnp.uint32(0xFFFF0000), jnp.float32)
    nbr2 = nbr_ref[:].reshape(EC, NF)
    nbrt = jnp.dot(nbr2, wn_ref[:], preferred_element_type=jnp.float32) + gp[2:3, :]
    kk = kw + nbrt
    vv = vw + nbrt
    inv = 1.0 / math.sqrt(D)

    qrep = jnp.broadcast_to(q_ref[:][:, None, :], (BC, M, AF)).reshape(EC, AF)
    qt = jnp.dot(jnp.where(mask, qrep, 0.0), qfold, preferred_element_type=jnp.float32)
    s = jnp.dot(kk * qt, s_mat, preferred_element_type=jnp.float32) * inv
    e = jnp.exp(s)
    w = e / jnp.sum(e, axis=1, keepdims=True)
    wx = jnp.dot(w, s_mat.T, preferred_element_type=jnp.float32)
    fold = jnp.dot(wx * vv, qfold, preferred_element_type=jnp.float32)
    placed = jnp.where(mask, fold, 0.0)
    att = jnp.sum(placed.reshape(BC, M, AF), axis=1)

    outp = jnp.dot(att, wo_ref[:], preferred_element_type=jnp.float32) + gp[3:4, :]
    resid = atom_ref[:]
    gl = (jnp.sum(outp * gp[0:1, :], axis=1, keepdims=True)
          + jnp.sum(resid * gp[1:2, :], axis=1, keepdims=True)
          + gp[6:7, 0:1])
    gate = 1.0 / (1.0 + jnp.exp(-gl))
    o2 = gate * outp + (1.0 - gate) * resid
    mu = jnp.mean(o2, axis=1, keepdims=True)
    var = jnp.mean((o2 - mu) ** 2, axis=1, keepdims=True)
    out_ref[:] = (o2 - mu) * lax.rsqrt(var + 1e-5) * gp[4:5, :] + gp[5:6, :]


def _attn_part(g2, nbr, q, atom, wn, wo, gparams, nblk, off):
    return pl.pallas_call(
        _attn_body,
        grid=(nblk,),
        in_specs=[
            pl.BlockSpec((EC, AF), lambda i: (i, 0)),
            pl.BlockSpec((BC, M, NF), lambda i: (i + off, 0, 0)),
            pl.BlockSpec((BC, AF), lambda i: (i + off, 0)),
            pl.BlockSpec((BC, AF), lambda i: (i + off, 0)),
            pl.BlockSpec((NF, AF), lambda i: (0, 0)),
            pl.BlockSpec((AF, AF), lambda i: (0, 0)),
            pl.BlockSpec((8, AF), lambda i: (0, 0)),
        ],
        out_specs=pl.BlockSpec((BC, AF), lambda i: (i, 0)),
        out_shape=jax.ShapeDtypeStruct((nblk * BC, AF), jnp.float32),
    )(g2, nbr, q, atom, wn, wo, gparams)


def kernel(atom_fea, nbr_fea, nbr_fea_idx, Wq, bq, Wk, bk, Wv, bv, Wn, bn, Wo, bo, Wg, bg, gamma, beta):
    wqkv = jnp.concatenate([Wq, Wk, Wv], axis=1)
    bqkv = jnp.concatenate([bq, bk, bv]).reshape(1, 3 * AF)
    q, kv = _qkv(atom_fea, wqkv, bqkv)

    na = 6400
    nb = N - na
    ncha = na * M // (NW * CH)
    nchb = nb * M // (NW * CH)
    idx_a = nbr_fea_idx[:na].reshape(NW, ncha, CH)
    idx_b = nbr_fea_idx[na:].reshape(NW, nchb, CH)
    g_a = _gather_part(kv, idx_a, ncha)
    g_b = _gather_part(kv, idx_b, nchb)

    gparams = jnp.stack([
        Wg[:AF, 0], Wg[AF:, 0], bn, bo, gamma, beta,
        jnp.full((AF,), bg[0], dtype=jnp.float32),
        jnp.zeros((AF,), dtype=jnp.float32),
    ])
    out_a = _attn_part(g_a, nbr_fea, q, atom_fea, Wn, Wo, gparams, na // BC, 0)
    out_b = _attn_part(g_b, nbr_fea, q, atom_fea, Wn, Wo, gparams, nb // BC, na // BC)
    return jnp.concatenate([out_a, out_b], axis=0)

# --- scband reference (transcript-rebuilt; emitter-appended) ---
"""Pipeline reference for scband-graph-attention-layer-60498909331487 (READ-ONLY COPY).

The authoritative reference and input builder live on the scoring server;
editing this copy changes nothing except your own understanding.
"""

import jax, jax.numpy as jnp
import numpy as np

N = 10000
M = 16
AF = 128
NF = 16
H = 16
D = AF // H


def setup_inputs(seed: int = 0) -> dict:
    key = jax.random.key(seed)
    ks = jax.random.split(key, 20)
    s = 0.05
    inp = {}
    inp['atom_fea'] = jax.random.normal(ks[0], (N, AF), dtype=jnp.float32)
    inp['nbr_fea'] = jax.random.normal(ks[1], (N, M, NF), dtype=jnp.float32)
    inp['nbr_fea_idx'] = jax.random.randint(ks[2], (N, M), 0, N, dtype=jnp.int32)
    inp['Wq'] = jax.random.normal(ks[3], (AF, AF), dtype=jnp.float32) * s
    inp['bq'] = jnp.zeros((AF,), dtype=jnp.float32)
    inp['Wk'] = jax.random.normal(ks[4], (AF, AF), dtype=jnp.float32) * s
    inp['bk'] = jnp.zeros((AF,), dtype=jnp.float32)
    inp['Wv'] = jax.random.normal(ks[5], (AF, AF), dtype=jnp.float32) * s
    inp['bv'] = jnp.zeros((AF,), dtype=jnp.float32)
    inp['Wn'] = jax.random.normal(ks[6], (NF, AF), dtype=jnp.float32) * s
    inp['bn'] = jnp.zeros((AF,), dtype=jnp.float32)
    inp['Wo'] = jax.random.normal(ks[7], (AF, AF), dtype=jnp.float32) * s
    inp['bo'] = jnp.zeros((AF,), dtype=jnp.float32)
    inp['Wg'] = jax.random.normal(ks[8], (2 * AF, 1), dtype=jnp.float32) * s
    inp['bg'] = jnp.zeros((1,), dtype=jnp.float32)
    inp['gamma'] = jnp.ones((AF,), dtype=jnp.float32)
    inp['beta'] = jnp.zeros((AF,), dtype=jnp.float32)
    return inp


def reference(atom_fea, nbr_fea, nbr_fea_idx, Wq, bq, Wk, bk, Wv, bv, Wn, bn, Wo, bo, Wg, bg, gamma, beta):
    Nn, Mm = nbr_fea_idx.shape
    residual = atom_fea
    q = atom_fea @ Wq + bq
    k = atom_fea @ Wk + bk
    v = atom_fea @ Wv + bv
    queries = q.reshape(Nn, H, D)
    keys = k.reshape(-1, H, D)
    values = v.reshape(-1, H, D)
    # SparseCore-friendly gathers over node table
    neighbor_keys = jnp.take(keys, nbr_fea_idx, axis=0)      # [N, M, H, D]
    neighbor_values = jnp.take(values, nbr_fea_idx, axis=0)  # [N, M, H, D]
    nbr_t = nbr_fea @ Wn + bn                                # [N, M, AF]
    nbr_r = nbr_t.reshape(Nn, Mm, H, D)
    neighbor_keys = neighbor_keys + nbr_r
    neighbor_values = neighbor_values + nbr_r
    # Faithful to the torch code: queries.unsqueeze(2) -> [N, H, 1, D]
    # broadcast against [N, M, H, D] (requires M == n_heads)
    queries_expanded = queries[:, :, None, :]
    attention_scores = jnp.sum(queries_expanded * neighbor_keys, axis=-1)
    attention_scores = attention_scores / np.sqrt(D)
    attention_weights = jax.nn.softmax(attention_scores, axis=-1)
    # dropout(p=0.1) is identity in eval mode
    attended_values = jnp.sum(attention_weights[..., None] * neighbor_values, axis=2)
    attended_output = attended_values.reshape(Nn, AF)
    output = attended_output @ Wo + bo
    gate_input = jnp.concatenate([output, residual], axis=-1)
    gate_weight = jax.nn.sigmoid(gate_input @ Wg + bg)
    output = gate_weight * output + (1.0 - gate_weight) * residual
    mu = jnp.mean(output, axis=-1, keepdims=True)
    var = jnp.var(output, axis=-1, keepdims=True)
    output = (output - mu) / jnp.sqrt(var + 1e-5)
    output = output * gamma + beta
    return output

if __name__ == "__main__":
    import jax
    _d = setup_inputs()
    print(jax.jit(kernel)(*tuple(_d.values())))

</pallas_src>

<mosaic_0001>
#map = affine_map<(d0, d1) -> (0, 0)>
#map1 = affine_map<(d0, d1) -> (0, 0, 0)>
module attributes {stable_mosaic.version = 14 : i64} {
  func.func @k(%arg0: i32, %arg1: i32, %arg2: memref<10000x128xf32, #tpu.memory_space<hbm>>, %arg3: memref<32x45x40xi32, #tpu.memory_space<hbm>>, %arg4: memref<57600x128xf32, #tpu.memory_space<hbm>>, %arg5: memref<45x40xi32, #tpu.memory_space<vmem>>, %arg6: memref<40x128xf32, #tpu.memory_space<vmem>>, %arg7: memref<40x128xf32, #tpu.memory_space<vmem>>, %arg8: memref<!tpu.dma_semaphore, #tpu.memory_space<semaphore_mem>>, %arg9: memref<!tpu.dma_semaphore, #tpu.memory_space<semaphore_mem>>, %arg10: memref<!tpu.dma_semaphore, #tpu.memory_space<semaphore_mem>>, %arg11: memref<!tpu.dma_semaphore, #tpu.memory_space<semaphore_mem>>) attributes {dimension_semantics = [#tpu.dimension_semantics<core_parallel>, #tpu.dimension_semantics<subcore_parallel>], iteration_bounds = array<i64: 2, 16>, scalar_prefetch = 0 : i64, scratch_operands = 7 : i64, tpu.core_type = #tpu.core_type<sc_vector_subcore>, window_params = [{transform_indices = #map}, {transform_indices = #map1}, {transform_indices = #map}]} {
    %mul3A = arith.constant 2 : i32
    %mul3A_0 = arith.muli %arg1, %mul3A : i32
    %add3A = arith.addi %mul3A_0, %arg0 : i32
    "tpu.region"() ({
      %run_scoped3A = tpu.sem_alloc : memref<!tpu.dma_semaphore, #tpu.memory_space<semaphore_mem>>
      %dma_start3A_32 = arith.constant 0 : i32
      %dma_start3A_33 = arith.constant 0 : i32
      %dma_start3A_34 = tpu.memref_slice %arg3[%add3A, %dma_start3A_32, %dma_start3A_33] : memref<32x45x40xi32, #tpu.memory_space<hbm>> -> memref<1x45x40xi32, #tpu.memory_space<hbm>>
      %dma_start3A_35 = tpu.memref_squeeze %dma_start3A_34 : memref<1x45x40xi32, #tpu.memory_space<hbm>> -> memref<45x40xi32, #tpu.memory_space<hbm>>
      %dma_start3A_36 = arith.constant 0 : i32
      %dma_start3A_37 = arith.constant 0 : i32
      %dma_start3A_38 = tpu.memref_slice %arg3[%add3A, %dma_start3A_36, %dma_start3A_37] : memref<32x45x40xi32, #tpu.memory_space<hbm>> -> memref<1x45x40xi32, #tpu.memory_space<hbm>>
      %dma_start3A_39 = tpu.memref_squeeze %dma_start3A_38 : memref<1x45x40xi32, #tpu.memory_space<hbm>> -> memref<45x40xi32, #tpu.memory_space<hbm>>
      tpu.enqueue_dma source(%dma_start3A_39 : memref<45x40xi32, #tpu.memory_space<hbm>>) target(%arg5 : memref<45x40xi32, #tpu.memory_space<vmem>>) target_semaphore(%run_scoped3A : memref<!tpu.dma_semaphore, #tpu.memory_space<semaphore_mem>>)
      %dma_wait3A_40 = arith.constant 0 : i32
      %dma_wait3A_41 = arith.constant 0 : i32
      %dma_wait3A_42 = tpu.memref_slice %arg3[%add3A, %dma_wait3A_40, %dma_wait3A_41] : memref<32x45x40xi32, #tpu.memory_space<hbm>> -> memref<1x45x40xi32, #tpu.memory_space<hbm>>
      %dma_wait3A_43 = tpu.memref_squeeze %dma_wait3A_42 : memref<1x45x40xi32, #tpu.memory_space<hbm>> -> memref<45x40xi32, #tpu.memory_space<hbm>>
      %dma_wait3A_44 = arith.constant 0 : i32
      %dma_wait3A_45 = arith.constant 0 : i32
      %dma_wait3A_46 = tpu.memref_slice %arg3[%add3A, %dma_wait3A_44, %dma_wait3A_45] : memref<32x45x40xi32, #tpu.memory_space<hbm>> -> memref<1x45x40xi32, #tpu.memory_space<hbm>>
      %dma_wait3A_47 = tpu.memref_squeeze %dma_wait3A_46 : memref<1x45x40xi32, #tpu.memory_space<hbm>> -> memref<45x40xi32, #tpu.memory_space<hbm>>
      tpu.wait_dma2 semaphore(%run_scoped3A : memref<!tpu.dma_semaphore, #tpu.memory_space<semaphore_mem>>) src(%dma_wait3A_47 : memref<45x40xi32, #tpu.memory_space<hbm>>) dst(%arg5 : memref<45x40xi32, #tpu.memory_space<vmem>>)
      tpu.yield
    }) : () -> ()
    %mul3A_1 = arith.constant 1800 : i32
    %mul3A_2 = arith.muli %add3A, %mul3A_1 : i32
    %dma_start3A = arith.constant 0 : i32
    %dma_start3A_3 = arith.constant 0 : i32
    %dma_start3A_4 = tpu.memref_slice %arg5[%dma_start3A, %dma_start3A_3] : memref<45x40xi32, #tpu.memory_space<vmem>> -> memref<1x40xi32, #tpu.memory_space<vmem>>
    %dma_start3A_5 = tpu.memref_squeeze %dma_start3A_4 : memref<1x40xi32, #tpu.memory_space<vmem>> -> memref<40xi32, #tpu.memory_space<vmem>>
    %dma_start3A_6 = arith.constant 0 : i32
    %dma_start3A_7 = arith.constant 0 : i32
    %dma_start3A_8 = tpu.memref_slice %arg2[%dma_start3A_6, %dma_start3A_7] : memref<10000x128xf32, #tpu.memory_space<hbm>> -> memref<10000x128xf32, #tpu.memory_space<hbm>>
    tpu.enqueue_indirect_dma source(%dma_start3A_8 : memref<10000x128xf32, #tpu.memory_space<hbm>>) target(%arg6 : memref<40x128xf32, #tpu.memory_space<vmem>>) offsets(%dma_start3A_5 : memref<40xi32, #tpu.memory_space<vmem>>) semaphore(%arg8 : memref<!tpu.dma_semaphore, #tpu.memory_space<semaphore_mem>>)
    %scan3A = arith.constant 0 : i32
    %scan3A_9 = arith.constant 0 : i32
    %scan3A_10 = arith.constant 22 : i32
    %scan3A_11 = arith.addi %scan3A_9, %scan3A_10 : i32
    %scan3A_12 = arith.constant 1 : i32
    scf.for %scan3A_32 = %scan3A_9 to %scan3A_11 step %scan3A_12  : i32 {
      %mul3A_33 = arith.constant 2 : i32
      %mul3A_34 = arith.muli %mul3A_33, %scan3A_32 : i32
      %add3A_35 = arith.constant 1 : i32
      %add3A_36 = arith.addi %mul3A_34, %add3A_35 : i32
      %dma_start3A_37 = arith.constant 0 : i32
      %dma_start3A_38 = tpu.memref_slice %arg5[%add3A_36, %dma_start3A_37] : memref<45x40xi32, #tpu.memory_space<vmem>> -> memref<1x40xi32, #tpu.memory_space<vmem>>
      %dma_start3A_39 = tpu.memref_squeeze %dma_start3A_38 : memref<1x40xi32, #tpu.memory_space<vmem>> -> memref<40xi32, #tpu.memory_space<vmem>>
      %dma_start3A_40 = arith.constant 0 : i32
      %dma_start3A_41 = arith.constant 0 : i32
      %dma_start3A_42 = tpu.memref_slice %arg2[%dma_start3A_40, %dma_start3A_41] : memref<10000x128xf32, #tpu.memory_space<hbm>> -> memref<10000x128xf32, #tpu.memory_space<hbm>>
      tpu.enqueue_indirect_dma source(%dma_start3A_42 : memref<10000x128xf32, #tpu.memory_space<hbm>>) target(%arg7 : memref<40x128xf32, #tpu.memory_space<vmem>>) offsets(%dma_start3A_39 : memref<40xi32, #tpu.memory_space<vmem>>) semaphore(%arg9 : memref<!tpu.dma_semaphore, #tpu.memory_space<semaphore_mem>>)
      %dma_wait3A_43 = arith.constant 0 : i32
      %dma_wait3A_44 = tpu.memref_slice %arg5[%mul3A_34, %dma_wait3A_43] : memref<45x40xi32, #tpu.memory_space<vmem>> -> memref<1x40xi32, #tpu.memory_space<vmem>>
      %dma_wait3A_45 = tpu.memref_squeeze %dma_wait3A_44 : memref<1x40xi32, #tpu.memory_space<vmem>> -> memref<40xi32, #tpu.memory_space<vmem>>
      %dma_wait3A_46 = arith.constant 0 : i32
      %dma_wait3A_47 = arith.constant 0 : i32
      %dma_wait3A_48 = tpu.memref_slice %arg2[%dma_wait3A_46, %dma_wait3A_47] : memref<10000x128xf32, #tpu.memory_space<hbm>> -> memref<10000x128xf32, #tpu.memory_space<hbm>>
      tpu.wait_indirect_dma semaphore(%arg8 : memref<!tpu.dma_semaphore, #tpu.memory_space<semaphore_mem>>) src(%dma_wait3A_48 : memref<10000x128xf32, #tpu.memory_space<hbm>>) dst(%arg6 : memref<40x128xf32, #tpu.memory_space<vmem>>)
      %mul3A_49 = arith.constant 40 : i32
      %mul3A_50 = arith.muli %mul3A_34, %mul3A_49 : i32
      %add3A_51 = arith.addi %mul3A_2, %mul3A_50 : i32
      %dma_start3A_52 = arith.constant 0 : i32
      %dma_start3A_53 = tpu.memref_slice %arg4[%add3A_51, %dma_start3A_52] : memref<57600x128xf32, #tpu.memory_space<hbm>> -> memref<40x128xf32, #tpu.memory_space<hbm>>
      %dma_start3A_54 = arith.constant 0 : i32
      %dma_start3A_55 = tpu.memref_slice %arg4[%add3A_51, %dma_start3A_54] : memref<57600x128xf32, #tpu.memory_space<hbm>> -> memref<40x128xf32, #tpu.memory_space<hbm>>
      tpu.enqueue_dma source(%arg6 : memref<40x128xf32, #tpu.memory_space<vmem>>) target(%dma_start3A_55 : memref<40x128xf32, #tpu.memory_space<hbm>>) target_semaphore(%arg10 : memref<!tpu.dma_semaphore, #tpu.memory_space<semaphore_mem>>)
      %mul3A_56 = arith.constant 40 : i32
      %mul3A_57 = arith.muli %mul3A_34, %mul3A_56 : i32
      %add3A_58 = arith.addi %mul3A_2, %mul3A_57 : i32
      %dma_wait3A_59 = arith.constant 0 : i32
      %dma_wait3A_60 = tpu.memref_slice %arg4[%add3A_58, %dma_wait3A_59] : memref<57600x128xf32, #tpu.memory_space<hbm>> -> memref<40x128xf32, #tpu.memory_space<hbm>>
      %dma_wait3A_61 = arith.constant 0 : i32
      %dma_wait3A_62 = tpu.memref_slice %arg4[%add3A_58, %dma_wait3A_61] : memref<57600x128xf32, #tpu.memory_space<hbm>> -> memref<40x128xf32, #tpu.memory_space<hbm>>
      tpu.wait_dma2 semaphore(%arg10 : memref<!tpu.dma_semaphore, #tpu.memory_space<semaphore_mem>>) src(%arg6 : memref<40x128xf32, #tpu.memory_space<vmem>>) dst(%dma_wait3A_62 : memref<40x128xf32, #tpu.memory_space<hbm>>)
      %add3A_63 = arith.constant 2 : i32
      %add3A_64 = arith.addi %mul3A_34, %add3A_63 : i32
      %dma_start3A_65 = arith.constant 0 : i32
      %dma_start3A_66 = tpu.memref_slice %arg5[%add3A_64, %dma_start3A_65] : memref<45x40xi32, #tpu.memory_space<vmem>> -> memref<1x40xi32, #tpu.memory_space<vmem>>
      %dma_start3A_67 = tpu.memref_squeeze %dma_start3A_66 : memref<1x40xi32, #tpu.memory_space<vmem>> -> memref<40xi32, #tpu.memory_space<vmem>>
      %dma_start3A_68 = arith.constant 0 : i32
      %dma_start3A_69 = arith.constant 0 : i32
      %dma_start3A_70 = tpu.memref_slice %arg2[%dma_start3A_68, %dma_start3A_69] : memref<10000x128xf32, #tpu.memory_space<hbm>> -> memref<10000x128xf32, #tpu.memory_space<hbm>>
      tpu.enqueue_indirect_dma source(%dma_start3A_70 : memref<10000x128xf32, #tpu.memory_space<hbm>>) target(%arg6 : memref<40x128xf32, #tpu.memory_space<vmem>>) offsets(%dma_start3A_67 : memref<40xi32, #tpu.memory_space<vmem>>) semaphore(%arg8 : memref<!tpu.dma_semaphore, #tpu.memory_space<semaphore_mem>>)
      %add3A_71 = arith.constant 1 : i32
      %add3A_72 = arith.addi %mul3A_34, %add3A_71 : i32
      %dma_wait3A_73 = arith.constant 0 : i32
      %dma_wait3A_74 = tpu.memref_slice %arg5[%add3A_72, %dma_wait3A_73] : memref<45x40xi32, #tpu.memory_space<vmem>> -> memref<1x40xi32, #tpu.memory_space<vmem>>
      %dma_wait3A_75 = tpu.memref_squeeze %dma_wait3A_74 : memref<1x40xi32, #tpu.memory_space<vmem>> -> memref<40xi32, #tpu.memory_space<vmem>>
      %dma_wait3A_76 = arith.constant 0 : i32
      %dma_wait3A_77 = arith.constant 0 : i32
      %dma_wait3A_78 = tpu.memref_slice %arg2[%dma_wait3A_76, %dma_wait3A_77] : memref<10000x128xf32, #tpu.memory_space<hbm>> -> memref<10000x128xf32, #tpu.memory_space<hbm>>
      tpu.wait_indirect_dma semaphore(%arg9 : memref<!tpu.dma_semaphore, #tpu.memory_space<semaphore_mem>>) src(%dma_wait3A_78 : memref<10000x128xf32, #tpu.memory_space<hbm>>) dst(%arg7 : memref<40x128xf32, #tpu.memory_space<vmem>>)
      %add3A_79 = arith.constant 1 : i32
      %add3A_80 = arith.addi %mul3A_34, %add3A_79 : i32
      %mul3A_81 = arith.constant 40 : i32
      %mul3A_82 = arith.muli %add3A_80, %mul3A_81 : i32
      %add3A_83 = arith.addi %mul3A_2, %mul3A_82 : i32
      %dma_start3A_84 = arith.constant 0 : i32
      %dma_start3A_85 = tpu.memref_slice %arg4[%add3A_83, %dma_start3A_84] : memref<57600x128xf32, #tpu.memory_space<hbm>> -> memref<40x128xf32, #tpu.memory_space<hbm>>
      %dma_start3A_86 = arith.constant 0 : i32
      %dma_start3A_87 = tpu.memref_slice %arg4[%add3A_83, %dma_start3A_86] : memref<57600x128xf32, #tpu.memory_space<hbm>> -> memref<40x128xf32, #tpu.memory_space<hbm>>
      tpu.enqueue_dma source(%arg7 : memref<40x128xf32, #tpu.memory_space<vmem>>) target(%dma_start3A_87 : memref<40x128xf32, #tpu.memory_space<hbm>>) target_semaphore(%arg11 : memref<!tpu.dma_semaphore, #tpu.memory_space<semaphore_mem>>)
      %add3A_88 = arith.constant 1 : i32
      %add3A_89 = arith.addi %mul3A_34, %add3A_88 : i32
      %mul3A_90 = arith.constant 40 : i32
      %mul3A_91 = arith.muli %add3A_89, %mul3A_90 : i32
      %add3A_92 = arith.addi %mul3A_2, %mul3A_91 : i32
      %dma_wait3A_93 = arith.constant 0 : i32
      %dma_wait3A_94 = tpu.memref_slice %arg4[%add3A_92, %dma_wait3A_93] : memref<57600x128xf32, #tpu.memory_space<hbm>> -> memref<40x128xf32, #tpu.memory_space<hbm>>
      %dma_wait3A_95 = arith.constant 0 : i32
      %dma_wait3A_96 = tpu.memref_slice %arg4[%add3A_92, %dma_wait3A_95] : memref<57600x128xf32, #tpu.memory_space<hbm>> -> memref<40x128xf32, #tpu.memory_space<hbm>>
      tpu.wait_dma2 semaphore(%arg11 : memref<!tpu.dma_semaphore, #tpu.memory_space<semaphore_mem>>) src(%arg7 : memref<40x128xf32, #tpu.memory_space<vmem>>) dst(%dma_wait3A_96 : memref<40x128xf32, #tpu.memory_space<hbm>>)
    }
    %scan3A_13 = arith.constant 22 : i32
    %dma_wait3A = arith.constant 44 : i32
    %dma_wait3A_14 = arith.constant 0 : i32
    %dma_wait3A_15 = tpu.memref_slice %arg5[%dma_wait3A, %dma_wait3A_14] : memref<45x40xi32, #tpu.memory_space<vmem>> -> memref<1x40xi32, #tpu.memory_space<vmem>>
    %dma_wait3A_16 = tpu.memref_squeeze %dma_wait3A_15 : memref<1x40xi32, #tpu.memory_space<vmem>> -> memref<40xi32, #tpu.memory_space<vmem>>
    %dma_wait3A_17 = arith.constant 0 : i32
    %dma_wait3A_18 = arith.constant 0 : i32
    %dma_wait3A_19 = tpu.memref_slice %arg2[%dma_wait3A_17, %dma_wait3A_18] : memref<10000x128xf32, #tpu.memory_space<hbm>> -> memref<10000x128xf32, #tpu.memory_space<hbm>>
    tpu.wait_indirect_dma semaphore(%arg8 : memref<!tpu.dma_semaphore, #tpu.memory_space<semaphore_mem>>) src(%dma_wait3A_19 : memref<10000x128xf32, #tpu.memory_space<hbm>>) dst(%arg6 : memref<40x128xf32, #tpu.memory_space<vmem>>)
    %add3A_20 = arith.constant 1760 : i32
    %add3A_21 = arith.addi %mul3A_2, %add3A_20 : i32
    %dma_start3A_22 = arith.constant 0 : i32
    %dma_start3A_23 = tpu.memref_slice %arg4[%add3A_21, %dma_start3A_22] : memref<57600x128xf32, #tpu.memory_space<hbm>> -> memref<40x128xf32, #tpu.memory_space<hbm>>
    %dma_start3A_24 = arith.constant 0 : i32
    %dma_start3A_25 = tpu.memref_slice %arg4[%add3A_21, %dma_start3A_24] : memref<57600x128xf32, #tpu.memory_space<hbm>> -> memref<40x128xf32, #tpu.memory_space<hbm>>
    tpu.enqueue_dma source(%arg6 : memref<40x128xf32, #tpu.memory_space<vmem>>) target(%dma_start3A_25 : memref<40x128xf32, #tpu.memory_space<hbm>>) target_semaphore(%arg10 : memref<!tpu.dma_semaphore, #tpu.memory_space<semaphore_mem>>)
    %add3A_26 = arith.constant 1760 : i32
    %add3A_27 = arith.addi %mul3A_2, %add3A_26 : i32
    %dma_wait3A_28 = arith.constant 0 : i32
    %dma_wait3A_29 = tpu.memref_slice %arg4[%add3A_27, %dma_wait3A_28] : memref<57600x128xf32, #tpu.memory_space<hbm>> -> memref<40x128xf32, #tpu.memory_space<hbm>>
    %dma_wait3A_30 = arith.constant 0 : i32
    %dma_wait3A_31 = tpu.memref_slice %arg4[%add3A_27, %dma_wait3A_30] : memref<57600x128xf32, #tpu.memory_space<hbm>> -> memref<40x128xf32, #tpu.memory_space<hbm>>
    tpu.wait_dma2 semaphore(%arg10 : memref<!tpu.dma_semaphore, #tpu.memory_space<semaphore_mem>>) src(%arg6 : memref<40x128xf32, #tpu.memory_space<vmem>>) dst(%dma_wait3A_31 : memref<40x128xf32, #tpu.memory_space<hbm>>)
    return
  }
}

#map = affine_map<(d0, d1) -> (0, 0)>
#map1 = affine_map<(d0, d1) -> (0, 0, 0)>
module attributes {stable_mosaic.version = 14 : i64} {
  func.func @k(%arg0: i32, %arg1: i32, %arg2: memref<10000x128xf32, #tpu.memory_space<hbm>>, %arg3: memref<32x80x40xi32, #tpu.memory_space<hbm>>, %arg4: memref<102400x128xf32, #tpu.memory_space<hbm>>, %arg5: memref<80x40xi32, #tpu.memory_space<vmem>>, %arg6: memref<40x128xf32, #tpu.memory_space<vmem>>, %arg7: memref<40x128xf32, #tpu.memory_space<vmem>>, %arg8: memref<!tpu.dma_semaphore, #tpu.memory_space<semaphore_mem>>, %arg9: memref<!tpu.dma_semaphore, #tpu.memory_space<semaphore_mem>>, %arg10: memref<!tpu.dma_semaphore, #tpu.memory_space<semaphore_mem>>, %arg11: memref<!tpu.dma_semaphore, #tpu.memory_space<semaphore_mem>>) attributes {dimension_semantics = [#tpu.dimension_semantics<core_parallel>, #tpu.dimension_semantics<subcore_parallel>], iteration_bounds = array<i64: 2, 16>, scalar_prefetch = 0 : i64, scratch_operands = 7 : i64, tpu.core_type = #tpu.core_type<sc_vector_subcore>, window_params = [{transform_indices = #map}, {transform_indices = #map1}, {transform_indices = #map}]} {
    %mul3A = arith.constant 2 : i32
    %mul3A_0 = arith.muli %arg1, %mul3A : i32
    %add3A = arith.addi %mul3A_0, %arg0 : i32
    "tpu.region"() ({
      %run_scoped3A = tpu.sem_alloc : memref<!tpu.dma_semaphore, #tpu.memory_space<semaphore_mem>>
      %dma_start3A_58 = arith.constant 0 : i32
      %dma_start3A_59 = arith.constant 0 : i32
      %dma_start3A_60 = tpu.memref_slice %arg3[%add3A, %dma_start3A_58, %dma_start3A_59] : memref<32x80x40xi32, #tpu.memory_space<hbm>> -> memref<1x80x40xi32, #tpu.memory_space<hbm>>
      %dma_start3A_61 = tpu.memref_squeeze %dma_start3A_60 : memref<1x80x40xi32, #tpu.memory_space<hbm>> -> memref<80x40xi32, #tpu.memory_space<hbm>>
      %dma_start3A_62 = arith.constant 0 : i32
      %dma_start3A_63 = arith.constant 0 : i32
      %dma_start3A_64 = tpu.memref_slice %arg3[%add3A, %dma_start3A_62, %dma_start3A_63] : memref<32x80x40xi32, #tpu.memory_space<hbm>> -> memref<1x80x40xi32, #tpu.memory_space<hbm>>
      %dma_start3A_65 = tpu.memref_squeeze %dma_start3A_64 : memref<1x80x40xi32, #tpu.memory_space<hbm>> -> memref<80x40xi32, #tpu.memory_space<hbm>>
      tpu.enqueue_dma source(%dma_start3A_65 : memref<80x40xi32, #tpu.memory_space<hbm>>) target(%arg5 : memref<80x40xi32, #tpu.memory_space<vmem>>) target_semaphore(%run_scoped3A : memref<!tpu.dma_semaphore, #tpu.memory_space<semaphore_mem>>)
      %dma_wait3A_66 = arith.constant 0 : i32
      %dma_wait3A_67 = arith.constant 0 : i32
      %dma_wait3A_68 = tpu.memref_slice %arg3[%add3A, %dma_wait3A_66, %dma_wait3A_67] : memref<32x80x40xi32, #tpu.memory_space<hbm>> -> memref<1x80x40xi32, #tpu.memory_space<hbm>>
      %dma_wait3A_69 = tpu.memref_squeeze %dma_wait3A_68 : memref<1x80x40xi32, #tpu.memory_space<hbm>> -> memref<80x40xi32, #tpu.memory_space<hbm>>
      %dma_wait3A_70 = arith.constant 0 : i32
      %dma_wait3A_71 = arith.constant 0 : i32
      %dma_wait3A_72 = tpu.memref_slice %arg3[%add3A, %dma_wait3A_70, %dma_wait3A_71] : memref<32x80x40xi32, #tpu.memory_space<hbm>> -> memref<1x80x40xi32, #tpu.memory_space<hbm>>
      %dma_wait3A_73 = tpu.memref_squeeze %dma_wait3A_72 : memref<1x80x40xi32, #tpu.memory_space<hbm>> -> memref<80x40xi32, #tpu.memory_space<hbm>>
      tpu.wait_dma2 semaphore(%run_scoped3A : memref<!tpu.dma_semaphore, #tpu.memory_space<semaphore_mem>>) src(%dma_wait3A_73 : memref<80x40xi32, #tpu.memory_space<hbm>>) dst(%arg5 : memref<80x40xi32, #tpu.memory_space<vmem>>)
      tpu.yield
    }) : () -> ()
    %mul3A_1 = arith.constant 3200 : i32
    %mul3A_2 = arith.muli %add3A, %mul3A_1 : i32
    %dma_start3A = arith.constant 0 : i32
    %dma_start3A_3 = arith.constant 0 : i32
    %dma_start3A_4 = tpu.memref_slice %arg5[%dma_start3A, %dma_start3A_3] : memref<80x40xi32, #tpu.memory_space<vmem>> -> memref<1x40xi32, #tpu.memory_space<vmem>>
    %dma_start3A_5 = tpu.memref_squeeze %dma_start3A_4 : memref<1x40xi32, #tpu.memory_space<vmem>> -> memref<40xi32, #tpu.memory_space<vmem>>
    %dma_start3A_6 = arith.constant 0 : i32
    %dma_start3A_7 = arith.constant 0 : i32
    %dma_start3A_8 = tpu.memref_slice %arg2[%dma_start3A_6, %dma_start3A_7] : memref<10000x128xf32, #tpu.memory_space<hbm>> -> memref<10000x128xf32, #tpu.memory_space<hbm>>
    tpu.enqueue_indirect_dma source(%dma_start3A_8 : memref<10000x128xf32, #tpu.memory_space<hbm>>) target(%arg6 : memref<40x128xf32, #tpu.memory_space<vmem>>) offsets(%dma_start3A_5 : memref<40xi32, #tpu.memory_space<vmem>>) semaphore(%arg8 : memref<!tpu.dma_semaphore, #tpu.memory_space<semaphore_mem>>)
    %scan3A = arith.constant 0 : i32
    %scan3A_9 = arith.constant 0 : i32
    %scan3A_10 = arith.constant 39 : i32
    %scan3A_11 = arith.addi %scan3A_9, %scan3A_10 : i32
    %scan3A_12 = arith.constant 1 : i32
    scf.for %scan3A_58 = %scan3A_9 to %scan3A_11 step %scan3A_12  : i32 {
      %mul3A_59 = arith.constant 2 : i32
      %mul3A_60 = arith.muli %mul3A_59, %scan3A_58 : i32
      %add3A_61 = arith.constant 1 : i32
      %add3A_62 = arith.addi %mul3A_60, %add3A_61 : i32
      %dma_start3A_63 = arith.constant 0 : i32
      %dma_start3A_64 = tpu.memref_slice %arg5[%add3A_62, %dma_start3A_63] : memref<80x40xi32, #tpu.memory_space<vmem>> -> memref<1x40xi32, #tpu.memory_space<vmem>>
      %dma_start3A_65 = tpu.memref_squeeze %dma_start3A_64 : memref<1x40xi32, #tpu.memory_space<vmem>> -> memref<40xi32, #tpu.memory_space<vmem>>
      %dma_start3A_66 = arith.constant 0 : i32
      %dma_start3A_67 = arith.constant 0 : i32
      %dma_start3A_68 = tpu.memref_slice %arg2[%dma_start3A_66, %dma_start3A_67] : memref<10000x128xf32, #tpu.memory_space<hbm>> -> memref<10000x128xf32, #tpu.memory_space<hbm>>
      tpu.enqueue_indirect_dma source(%dma_start3A_68 : memref<10000x128xf32, #tpu.memory_space<hbm>>) target(%arg7 : memref<40x128xf32, #tpu.memory_space<vmem>>) offsets(%dma_start3A_65 : memref<40xi32, #tpu.memory_space<vmem>>) semaphore(%arg9 : memref<!tpu.dma_semaphore, #tpu.memory_space<semaphore_mem>>)
      %dma_wait3A_69 = arith.constant 0 : i32
      %dma_wait3A_70 = tpu.memref_slice %arg5[%mul3A_60, %dma_wait3A_69] : memref<80x40xi32, #tpu.memory_space<vmem>> -> memref<1x40xi32, #tpu.memory_space<vmem>>
      %dma_wait3A_71 = tpu.memref_squeeze %dma_wait3A_70 : memref<1x40xi32, #tpu.memory_space<vmem>> -> memref<40xi32, #tpu.memory_space<vmem>>
      %dma_wait3A_72 = arith.constant 0 : i32
      %dma_wait3A_73 = arith.constant 0 : i32
      %dma_wait3A_74 = tpu.memref_slice %arg2[%dma_wait3A_72, %dma_wait3A_73] : memref<10000x128xf32, #tpu.memory_space<hbm>> -> memref<10000x128xf32, #tpu.memory_space<hbm>>
      tpu.wait_indirect_dma semaphore(%arg8 : memref<!tpu.dma_semaphore, #tpu.memory_space<semaphore_mem>>) src(%dma_wait3A_74 : memref<10000x128xf32, #tpu.memory_space<hbm>>) dst(%arg6 : memref<40x128xf32, #tpu.memory_space<vmem>>)
      %mul3A_75 = arith.constant 40 : i32
      %mul3A_76 = arith.muli %mul3A_60, %mul3A_75 : i32
      %add3A_77 = arith.addi %mul3A_2, %mul3A_76 : i32
      %dma_start3A_78 = arith.constant 0 : i32
      %dma_start3A_79 = tpu.memref_slice %arg4[%add3A_77, %dma_start3A_78] : memref<102400x128xf32, #tpu.memory_space<hbm>> -> memref<40x128xf32, #tpu.memory_space<hbm>>
      %dma_start3A_80 = arith.constant 0 : i32
      %dma_start3A_81 = tpu.memref_slice %arg4[%add3A_77, %dma_start3A_80] : memref<102400x128xf32, #tpu.memory_space<hbm>> -> memref<40x128xf32, #tpu.memory_space<hbm>>
      tpu.enqueue_dma source(%arg6 : memref<40x128xf32, #tpu.memory_space<vmem>>) target(%dma_start3A_81 : memref<40x128xf32, #tpu.memory_space<hbm>>) target_semaphore(%arg10 : memref<!tpu.dma_semaphore, #tpu.memory_space<semaphore_mem>>)
      %mul3A_82 = arith.constant 40 : i32
      %mul3A_83 = arith.muli %mul3A_60, %mul3A_82 : i32
      %add3A_84 = arith.addi %mul3A_2, %mul3A_83 : i32
      %dma_wait3A_85 = arith.constant 0 : i32
      %dma_wait3A_86 = tpu.memref_slice %arg4[%add3A_84, %dma_wait3A_85] : memref<102400x128xf32, #tpu.memory_space<hbm>> -> memref<40x128xf32, #tpu.memory_space<hbm>>
      %dma_wait3A_87 = arith.constant 0 : i32
      %dma_wait3A_88 = tpu.memref_slice %arg4[%add3A_84, %dma_wait3A_87] : memref<102400x128xf32, #tpu.memory_space<hbm>> -> memref<40x128xf32, #tpu.memory_space<hbm>>
      tpu.wait_dma2 semaphore(%arg10 : memref<!tpu.dma_semaphore, #tpu.memory_space<semaphore_mem>>) src(%arg6 : memref<40x128xf32, #tpu.memory_space<vmem>>) dst(%dma_wait3A_88 : memref<40x128xf32, #tpu.memory_space<hbm>>)
      %add3A_89 = arith.constant 2 : i32
      %add3A_90 = arith.addi %mul3A_60, %add3A_89 : i32
      %dma_start3A_91 = arith.constant 0 : i32
      %dma_start3A_92 = tpu.memref_slice %arg5[%add3A_90, %dma_start3A_91] : memref<80x40xi32, #tpu.memory_space<vmem>> -> memref<1x40xi32, #tpu.memory_space<vmem>>
      %dma_start3A_93 = tpu.memref_squeeze %dma_start3A_92 : memref<1x40xi32, #tpu.memory_space<vmem>> -> memref<40xi32, #tpu.memory_space<vmem>>
      %dma_start3A_94 = arith.constant 0 : i32
      %dma_start3A_95 = arith.constant 0 : i32
      %dma_start3A_96 = tpu.memref_slice %arg2[%dma_start3A_94, %dma_start3A_95] : memref<10000x128xf32, #tpu.memory_space<hbm>> -> memref<10000x128xf32, #tpu.memory_space<hbm>>
      tpu.enqueue_indirect_dma source(%dma_start3A_96 : memref<10000x128xf32, #tpu.memory_space<hbm>>) target(%arg6 : memref<40x128xf32, #tpu.memory_space<vmem>>) offsets(%dma_start3A_93 : memref<40xi32, #tpu.memory_space<vmem>>) semaphore(%arg8 : memref<!tpu.dma_semaphore, #tpu.memory_space<semaphore_mem>>)
      %add3A_97 = arith.constant 1 : i32
      %add3A_98 = arith.addi %mul3A_60, %add3A_97 : i32
      %dma_wait3A_99 = arith.constant 0 : i32
      %dma_wait3A_100 = tpu.memref_slice %arg5[%add3A_98, %dma_wait3A_99] : memref<80x40xi32, #tpu.memory_space<vmem>> -> memref<1x40xi32, #tpu.memory_space<vmem>>
      %dma_wait3A_101 = tpu.memref_squeeze %dma_wait3A_100 : memref<1x40xi32, #tpu.memory_space<vmem>> -> memref<40xi32, #tpu.memory_space<vmem>>
      %dma_wait3A_102 = arith.constant 0 : i32
      %dma_wait3A_103 = arith.constant 0 : i32
      %dma_wait3A_104 = tpu.memref_slice %arg2[%dma_wait3A_102, %dma_wait3A_103] : memref<10000x128xf32, #tpu.memory_space<hbm>> -> memref<10000x128xf32, #tpu.memory_space<hbm>>
      tpu.wait_indirect_dma semaphore(%arg9 : memref<!tpu.dma_semaphore, #tpu.memory_space<semaphore_mem>>) src(%dma_wait3A_104 : memref<10000x128xf32, #tpu.memory_space<hbm>>) dst(%arg7 : memref<40x128xf32, #tpu.memory_space<vmem>>)
      %add3A_105 = arith.constant 1 : i32
      %add3A_106 = arith.addi %mul3A_60, %add3A_105 : i32
      %mul3A_107 = arith.constant 40 : i32
      %mul3A_108 = arith.muli %add3A_106, %mul3A_107 : i32
      %add3A_109 = arith.addi %mul3A_2, %mul3A_108 : i32
      %dma_start3A_110 = arith.constant 0 : i32
      %dma_start3A_111 = tpu.memref_slice %arg4[%add3A_109, %dma_start3A_110] : memref<102400x128xf32, #tpu.memory_space<hbm>> -> memref<40x128xf32, #tpu.memory_space<hbm>>
      %dma_start3A_112 = arith.constant 0 : i32
      %dma_start3A_113 = tpu.memref_slice %arg4[%add3A_109, %dma_start3A_112] : memref<102400x128xf32, #tpu.memory_space<hbm>> -> memref<40x128xf32, #tpu.memory_space<hbm>>
      tpu.enqueue_dma source(%arg7 : memref<40x128xf32, #tpu.memory_space<vmem>>) target(%dma_start3A_113 : memref<40x128xf32, #tpu.memory_space<hbm>>) target_semaphore(%arg11 : memref<!tpu.dma_semaphore, #tpu.memory_space<semaphore_mem>>)
      %add3A_114 = arith.constant 1 : i32
      %add3A_115 = arith.addi %mul3A_60, %add3A_114 : i32
      %mul3A_116 = arith.constant 40 : i32
      %mul3A_117 = arith.muli %add3A_115, %mul3A_116 : i32
      %add3A_118 = arith.addi %mul3A_2, %mul3A_117 : i32
      %dma_wait3A_119 = arith.constant 0 : i32
      %dma_wait3A_120 = tpu.memref_slice %arg4[%add3A_118, %dma_wait3A_119] : memref<102400x128xf32, #tpu.memory_space<hbm>> -> memref<40x128xf32, #tpu.memory_space<hbm>>
      %dma_wait3A_121 = arith.constant 0 : i32
      %dma_wait3A_122 = tpu.memref_slice %arg4[%add3A_118, %dma_wait3A_121] : memref<102400x128xf32, #tpu.memory_space<hbm>> -> memref<40x128xf32, #tpu.memory_space<hbm>>
      tpu.wait_dma2 semaphore(%arg11 : memref<!tpu.dma_semaphore, #tpu.memory_space<semaphore_mem>>) src(%arg7 : memref<40x128xf32, #tpu.memory_space<vmem>>) dst(%dma_wait3A_122 : memref<40x128xf32, #tpu.memory_space<hbm>>)
    }
    %scan3A_13 = arith.constant 39 : i32
    %dma_start3A_14 = arith.constant 79 : i32
    %dma_start3A_15 = arith.constant 0 : i32
    %dma_start3A_16 = tpu.memref_slice %arg5[%dma_start3A_14, %dma_start3A_15] : memref<80x40xi32, #tpu.memory_space<vmem>> -> memref<1x40xi32, #tpu.memory_space<vmem>>
    %dma_start3A_17 = tpu.memref_squeeze %dma_start3A_16 : memref<1x40xi32, #tpu.memory_space<vmem>> -> memref<40xi32, #tpu.memory_space<vmem>>
    %dma_start3A_18 = arith.constant 0 : i32
    %dma_start3A_19 = arith.constant 0 : i32
    %dma_start3A_20 = tpu.memref_slice %arg2[%dma_start3A_18, %dma_start3A_19] : memref<10000x128xf32, #tpu.memory_space<hbm>> -> memref<10000x128xf32, #tpu.memory_space<hbm>>
    tpu.enqueue_indirect_dma source(%dma_start3A_20 : memref<10000x128xf32, #tpu.memory_space<hbm>>) target(%arg7 : memref<40x128xf32, #tpu.memory_space<vmem>>) offsets(%dma_start3A_17 : memref<40xi32, #tpu.memory_space<vmem>>) semaphore(%arg9 : memref<!tpu.dma_semaphore, #tpu.memory_space<semaphore_mem>>)
    %dma_wait3A = arith.constant 78 : i32
    %dma_wait3A_21 = arith.constant 0 : i32
    %dma_wait3A_22 = tpu.memref_slice %arg5[%dma_wait3A, %dma_wait3A_21] : memref<80x40xi32, #tpu.memory_space<vmem>> -> memref<1x40xi32, #tpu.memory_space<vmem>>
    %dma_wait3A_23 = tpu.memref_squeeze %dma_wait3A_22 : memref<1x40xi32, #tpu.memory_space<vmem>> -> memref<40xi32, #tpu.memory_space<vmem>>
    %dma_wait3A_24 = arith.constant 0 : i32
    %dma_wait3A_25 = arith.constant 0 : i32
    %dma_wait3A_26 = tpu.memref_slice %arg2[%dma_wait3A_24, %dma_wait3A_25] : memref<10000x128xf32, #tpu.memory_space<hbm>> -> memref<10000x128xf32, #tpu.memory_space<hbm>>
    tpu.wait_indirect_dma semaphore(%arg8 : memref<!tpu.dma_semaphore, #tpu.memory_space<semaphore_mem>>) src(%dma_wait3A_26 : memref<10000x128xf32, #tpu.memory_space<hbm>>) dst(%arg6 : memref<40x128xf32, #tpu.memory_space<vmem>>)
    %add3A_27 = arith.constant 3120 : i32
    %add3A_28 = arith.addi %mul3A_2, %add3A_27 : i32
    %dma_start3A_29 = arith.constant 0 : i32
    %dma_start3A_30 = tpu.memref_slice %arg4[%add3A_28, %dma_start3A_29] : memref<102400x128xf32, #tpu.memory_space<hbm>> -> memref<40x128xf32, #tpu.memory_space<hbm>>
    %dma_start3A_31 = arith.constant 0 : i32
    %dma_start3A_32 = tpu.memref_slice %arg4[%add3A_28, %dma_start3A_31] : memref<102400x128xf32, #tpu.memory_space<hbm>> -> memref<40x128xf32, #tpu.memory_space<hbm>>
    tpu.enqueue_dma source(%arg6 : memref<40x128xf32, #tpu.memory_space<vmem>>) target(%dma_start3A_32 : memref<40x128xf32, #tpu.memory_space<hbm>>) target_semaphore(%arg10 : memref<!tpu.dma_semaphore, #tpu.memory_space<semaphore_mem>>)
    %add3A_33 = arith.constant 3120 : i32
    %add3A_34 = arith.addi %mul3A_2, %add3A_33 : i32
    %dma_wait3A_35 = arith.constant 0 : i32
    %dma_wait3A_36 = tpu.memref_slice %arg4[%add3A_34, %dma_wait3A_35] : memref<102400x128xf32, #tpu.memory_space<hbm>> -> memref<40x128xf32, #tpu.memory_space<hbm>>
    %dma_wait3A_37 = arith.constant 0 : i32
    %dma_wait3A_38 = tpu.memref_slice %arg4[%add3A_34, %dma_wait3A_37] : memref<102400x128xf32, #tpu.memory_space<hbm>> -> memref<40x128xf32, #tpu.memory_space<hbm>>
    tpu.wait_dma2 semaphore(%arg10 : memref<!tpu.dma_semaphore, #tpu.memory_space<semaphore_mem>>) src(%arg6 : memref<40x128xf32, #tpu.memory_space<vmem>>) dst(%dma_wait3A_38 : memref<40x128xf32, #tpu.memory_space<hbm>>)
    %dma_wait3A_39 = arith.constant 79 : i32
    %dma_wait3A_40 = arith.constant 0 : i32
    %dma_wait3A_41 = tpu.memref_slice %arg5[%dma_wait3A_39, %dma_wait3A_40] : memref<80x40xi32, #tpu.memory_space<vmem>> -> memref<1x40xi32, #tpu.memory_space<vmem>>
    %dma_wait3A_42 = tpu.memref_squeeze %dma_wait3A_41 : memref<1x40xi32, #tpu.memory_space<vmem>> -> memref<40xi32, #tpu.memory_space<vmem>>
    %dma_wait3A_43 = arith.constant 0 : i32
    %dma_wait3A_44 = arith.constant 0 : i32
    %dma_wait3A_45 = tpu.memref_slice %arg2[%dma_wait3A_43, %dma_wait3A_44] : memref<10000x128xf32, #tpu.memory_space<hbm>> -> memref<10000x128xf32, #tpu.memory_space<hbm>>
    tpu.wait_indirect_dma semaphore(%arg9 : memref<!tpu.dma_semaphore, #tpu.memory_space<semaphore_mem>>) src(%dma_wait3A_45 : memref<10000x128xf32, #tpu.memory_space<hbm>>) dst(%arg7 : memref<40x128xf32, #tpu.memory_space<vmem>>)
    %add3A_46 = arith.constant 3160 : i32
    %add3A_47 = arith.addi %mul3A_2, %add3A_46 : i32
    %dma_start3A_48 = arith.constant 0 : i32
    %dma_start3A_49 = tpu.memref_slice %arg4[%add3A_47, %dma_start3A_48] : memref<102400x128xf32, #tpu.memory_space<hbm>> -> memref<40x128xf32, #tpu.memory_space<hbm>>
    %dma_start3A_50 = arith.constant 0 : i32
    %dma_start3A_51 = tpu.memref_slice %arg4[%add3A_47, %dma_start3A_50] : memref<102400x128xf32, #tpu.memory_space<hbm>> -> memref<40x128xf32, #tpu.memory_space<hbm>>
    tpu.enqueue_dma source(%arg7 : memref<40x128xf32, #tpu.memory_space<vmem>>) target(%dma_start3A_51 : memref<40x128xf32, #tpu.memory_space<hbm>>) target_semaphore(%arg11 : memref<!tpu.dma_semaphore, #tpu.memory_space<semaphore_mem>>)
    %add3A_52 = arith.constant 3160 : i32
    %add3A_53 = arith.addi %mul3A_2, %add3A_52 : i32
    %dma_wait3A_54 = arith.constant 0 : i32
    %dma_wait3A_55 = tpu.memref_slice %arg4[%add3A_53, %dma_wait3A_54] : memref<102400x128xf32, #tpu.memory_space<hbm>> -> memref<40x128xf32, #tpu.memory_space<hbm>>
    %dma_wait3A_56 = arith.constant 0 : i32
    %dma_wait3A_57 = tpu.memref_slice %arg4[%add3A_53, %dma_wait3A_56] : memref<102400x128xf32, #tpu.memory_space<hbm>> -> memref<40x128xf32, #tpu.memory_space<hbm>>
    tpu.wait_dma2 semaphore(%arg11 : memref<!tpu.dma_semaphore, #tpu.memory_space<semaphore_mem>>) src(%arg7 : memref<40x128xf32, #tpu.memory_space<vmem>>) dst(%dma_wait3A_57 : memref<40x128xf32, #tpu.memory_space<hbm>>)
    return
  }
}

module attributes {stable_mosaic.version = 14 : i64} {
  func.func @_proj_body(%arg0: i32, %arg1: memref<2000x128xf32, #tpu.memory_space<vmem>>, %arg2: memref<128x384xf32, #tpu.memory_space<vmem>>, %arg3: memref<1x384xf32, #tpu.memory_space<vmem>>, %arg4: memref<2000x128xf32, #tpu.memory_space<vmem>>, %arg5: memref<2000x128xf32, #tpu.memory_space<vmem>>) attributes {dimension_semantics = [#tpu.dimension_semantics<arbitrary>], iteration_bounds = array<i64: 5>, scalar_prefetch = 0 : i64, scratch_operands = 0 : i64, tpu.core_type = #tpu.core_type<tc>, window_params = [{transform_indices = @transform_0, window_bounds = array<i64: 2000, 128>}, {pipeline_mode = #tpu.pipeline_mode<synchronous>, transform_indices = @transform_1, window_bounds = array<i64: 128, 384>}, {pipeline_mode = #tpu.pipeline_mode<synchronous>, transform_indices = @transform_2, window_bounds = array<i64: 1, 384>}, {transform_indices = @transform_3, window_bounds = array<i64: 2000, 128>}, {transform_indices = @transform_4, window_bounds = array<i64: 2000, 128>}]} {
    %get3A = arith.constant 0 : index
    %get3A_0 = arith.constant 0 : index
    %get3A_1 = vector.load %arg1[%get3A, %get3A_0] : memref<2000x128xf32, #tpu.memory_space<vmem>>, vector<2000x128xf32>
    %get3A_2 = arith.constant 0 : index
    %get3A_3 = arith.constant 0 : index
    %get3A_4 = vector.load %arg2[%get3A_2, %get3A_3] : memref<128x384xf32, #tpu.memory_space<vmem>>, vector<128x384xf32>
    %dot_general3A = arith.constant dense<0.000000e+00> : vector<2000x384xf32>
    %dot_general3A_5 = tpu.matmul %get3A_1, %get3A_4, %dot_general3A {dimension_numbers = #tpu.dot_dimension_numbers<[1], [0], [0], [1], [0, 0, 1, 1], [], []>, transpose_lhs_hint = false} : vector<2000x128xf32>, vector<128x384xf32>, vector<2000x384xf32> -> vector<2000x384xf32>
    %get3A_6 = arith.constant 0 : index
    %get3A_7 = arith.constant 0 : index
    %get3A_8 = vector.load %arg3[%get3A_6, %get3A_7] : memref<1x384xf32, #tpu.memory_space<vmem>>, vector<1x384xf32>
    %add3A = vector.broadcast %get3A_8 : vector<1x384xf32> to vector<2000x384xf32>
    %add3A_9 = arith.addf %dot_general3A_5, %add3A : vector<2000x384xf32>
    %slice3A = vector.extract_strided_slice %add3A_9 {offsets = [0, 0], sizes = [2000, 128], strides = [1, 1]} : vector<2000x384xf32> to vector<2000x128xf32>
    %swap3A = arith.constant 0 : index
    %swap3A_10 = arith.constant 0 : index
    %swap3A_11 = vector.load %arg4[%swap3A, %swap3A_10] : memref<2000x128xf32, #tpu.memory_space<vmem>>, vector<2000x128xf32>
    tpu.vector_store %arg4[%swap3A, %swap3A_10], %slice3A {strides = array<i32>} : memref<2000x128xf32, #tpu.memory_space<vmem>>, vector<2000x128xf32>,
    %slice3A_12 = vector.extract_strided_slice %add3A_9 {offsets = [0, 128], sizes = [2000, 128], strides = [1, 1]} : vector<2000x384xf32> to vector<2000x128xf32>
    %convert_element_type3A = arith.truncf %slice3A_12 : vector<2000x128xf32> to vector<2000x128xbf16>
    %bitcast_convert_type3A = tpu.bitcast %convert_element_type3A : vector<2000x128xbf16> -> vector<2000x128xi16>
    %convert_element_type3A_13 = arith.extui %bitcast_convert_type3A : vector<2000x128xi16> to vector<2000x128xi32>
    %slice3A_14 = vector.extract_strided_slice %add3A_9 {offsets = [0, 256], sizes = [2000, 128], strides = [1, 1]} : vector<2000x384xf32> to vector<2000x128xf32>
    %convert_element_type3A_15 = arith.truncf %slice3A_14 : vector<2000x128xf32> to vector<2000x128xbf16>
    %bitcast_convert_type3A_16 = tpu.bitcast %convert_element_type3A_15 : vector<2000x128xbf16> -> vector<2000x128xi16>
    %convert_element_type3A_17 = arith.extui %bitcast_convert_type3A_16 : vector<2000x128xi16> to vector<2000x128xi32>
    %shift_left3A = arith.constant 16 : i32
    %shift_left3A_18 = vector.broadcast %shift_left3A : i32 to vector<2000x128xi32>
    %shift_left3A_19 = arith.shli %convert_element_type3A_17, %shift_left3A_18 : vector<2000x128xi32>
    %or3A = arith.ori %shift_left3A_19, %convert_element_type3A_13 : vector<2000x128xi32>
    %bitcast_convert_type3A_20 = tpu.bitcast %or3A : vector<2000x128xi32> -> vector<2000x128xf32>
    %swap3A_21 = arith.constant 0 : index
    %swap3A_22 = arith.constant 0 : index
    %swap3A_23 = vector.load %arg5[%swap3A_21, %swap3A_22] : memref<2000x128xf32, #tpu.memory_space<vmem>>, vector<2000x128xf32>
    tpu.vector_store %arg5[%swap3A_21, %swap3A_22], %bitcast_convert_type3A_20 {strides = array<i32>} : memref<2000x128xf32, #tpu.memory_space<vmem>>, vector<2000x128xf32>,
    return
  }
  func.func @transform_0(%arg0: i32) -> (i32, i32) {
    %c0_i32 = arith.constant 0 : i32
    %c0_i32_0 = arith.constant 0 : i32
    return %arg0, %c0_i32 : i32, i32
  }
  func.func @transform_1(%arg0: i32) -> (i32, i32) {
    %c0_i32 = arith.constant 0 : i32
    %c0_i32_0 = arith.constant 0 : i32
    %c0_i32_1 = arith.constant 0 : i32
    return %c0_i32, %c0_i32_0 : i32, i32
  }
  func.func @transform_2(%arg0: i32) -> (i32, i32) {
    %c0_i32 = arith.constant 0 : i32
    %c0_i32_0 = arith.constant 0 : i32
    %c0_i32_1 = arith.constant 0 : i32
    return %c0_i32, %c0_i32_0 : i32, i32
  }
  func.func @transform_3(%arg0: i32) -> (i32, i32) {
    %c0_i32 = arith.constant 0 : i32
    %c0_i32_0 = arith.constant 0 : i32
    return %arg0, %c0_i32 : i32, i32
  }
  func.func @transform_4(%arg0: i32) -> (i32, i32) {
    %c0_i32 = arith.constant 0 : i32
    %c0_i32_0 = arith.constant 0 : i32
    return %arg0, %c0_i32 : i32, i32
  }
}

module attributes {stable_mosaic.version = 14 : i64} {
  func.func @_attn_body(%arg0: i32, %arg1: memref<6400x128xf32, #tpu.memory_space<vmem>>, %arg2: memref<400x16x16xf32, #tpu.memory_space<vmem>>, %arg3: memref<400x128xf32, #tpu.memory_space<vmem>>, %arg4: memref<400x128xf32, #tpu.memory_space<vmem>>, %arg5: memref<16x128xf32, #tpu.memory_space<vmem>>, %arg6: memref<128x128xf32, #tpu.memory_space<vmem>>, %arg7: memref<8x128xf32, #tpu.memory_space<vmem>>, %arg8: memref<400x128xf32, #tpu.memory_space<vmem>>) attributes {dimension_semantics = [#tpu.dimension_semantics<arbitrary>], iteration_bounds = array<i64: 9>, scalar_prefetch = 0 : i64, scratch_operands = 0 : i64, tpu.core_type = #tpu.core_type<tc>, window_params = [{transform_indices = @transform_0, window_bounds = array<i64: 6400, 128>}, {transform_indices = @transform_1, window_bounds = array<i64: 400, 16, 16>}, {transform_indices = @transform_2, window_bounds = array<i64: 400, 128>}, {transform_indices = @transform_3, window_bounds = array<i64: 400, 128>}, {pipeline_mode = #tpu.pipeline_mode<synchronous>, transform_indices = @transform_4, window_bounds = array<i64: 16, 128>}, {pipeline_mode = #tpu.pipeline_mode<synchronous>, transform_indices = @transform_5, window_bounds = array<i64: 128, 128>}, {pipeline_mode = #tpu.pipeline_mode<synchronous>, transform_indices = @transform_6, window_bounds = array<i64: 8, 128>}, {transform_indices = @transform_7, window_bounds = array<i64: 400, 128>}]} {
    %iota3A = tpu.iota {dimensions = array<i32: 0>} : vector<128x16xi32>
    %iota3A_0 = tpu.iota {dimensions = array<i32: 1>} : vector<128x16xi32>
    %jit3A = arith.constant 8 : i32
    %div3A = vector.broadcast %jit3A : i32 to vector<128x16xi32>
    %div3A_1 = arith.divsi %iota3A, %div3A : vector<128x16xi32>
    %sign3A = arith.constant 0 : i32
    %sign3A_2 = vector.broadcast %sign3A : i32 to vector<128x16xi32>
    %sign3A_3 = arith.cmpi sgt, %iota3A, %sign3A_2 : vector<128x16xi32>
    %sign3A_4 = arith.extui %sign3A_3 : vector<128x16xi1> to vector<128x16xi32>
    %sign3A_5 = arith.constant 0 : i32
    %sign3A_6 = vector.broadcast %sign3A_5 : i32 to vector<128x16xi32>
    %sign3A_7 = arith.cmpi slt, %iota3A, %sign3A_6 : vector<128x16xi32>
    %sign3A_8 = arith.extui %sign3A_7 : vector<128x16xi1> to vector<128x16xi32>
    %sign3A_9 = arith.subi %sign3A_4, %sign3A_8 : vector<128x16xi32>
    %sign3A_10 = arith.constant 0 : i32
    %sign3A_11 = arith.cmpi sgt, %jit3A, %sign3A_10 : i32
    %sign3A_12 = arith.extui %sign3A_11 : i1 to i32
    %sign3A_13 = arith.constant 0 : i32
    %sign3A_14 = arith.cmpi slt, %jit3A, %sign3A_13 : i32
    %sign3A_15 = arith.extui %sign3A_14 : i1 to i32
    %sign3A_16 = arith.subi %sign3A_12, %sign3A_15 : i32
    %ne3A = vector.broadcast %sign3A_16 : i32 to vector<128x16xi32>
    %ne3A_17 = arith.cmpi ne, %sign3A_9, %ne3A : vector<128x16xi32>
    %rem3A = vector.broadcast %jit3A : i32 to vector<128x16xi32>
    %rem3A_18 = arith.remsi %iota3A, %rem3A : vector<128x16xi32>
    %ne3A_19 = arith.constant 0 : i32
    %ne3A_20 = vector.broadcast %ne3A_19 : i32 to vector<128x16xi32>
    %ne3A_21 = arith.cmpi ne, %rem3A_18, %ne3A_20 : vector<128x16xi32>
    %and3A = arith.andi %ne3A_17, %ne3A_21 : vector<128x16xi1>
    %sub3A = arith.constant 1 : i32
    %sub3A_22 = vector.broadcast %sub3A : i32 to vector<128x16xi32>
    %sub3A_23 = arith.subi %div3A_1, %sub3A_22 : vector<128x16xi32>
    %select_n3A = arith.select %and3A, %sub3A_23, %div3A_1 : vector<128x16xi1>, vector<128x16xi32>
    %eq3A = arith.cmpi eq, %select_n3A, %iota3A_0 : vector<128x16xi32>
    %convert_element_type3A = arith.extui %eq3A : vector<128x16xi1> to vector<128x16xi32>
    %convert_element_type3A_24 = arith.sitofp %convert_element_type3A : vector<128x16xi32> to vector<128x16xf32>
    %iota3A_25 = tpu.iota {dimensions = array<i32: 0>} : vector<128x128xi32>
    %iota3A_26 = tpu.iota {dimensions = array<i32: 1>} : vector<128x128xi32>
    %jit3A_27 = arith.constant 8 : i32
    %eq3A_28 = arith.constant 0 : i32
    %eq3A_29 = arith.cmpi eq, %jit3A_27, %eq3A_28 : i32
    %jit3A_30 = arith.constant 1 : i32
    %select_n3A_31 = arith.select %eq3A_29, %jit3A_30, %jit3A_27 : i32
    %rem3A_32 = vector.broadcast %select_n3A_31 : i32 to vector<128x128xi32>
    %rem3A_33 = arith.remsi %iota3A_25, %rem3A_32 : vector<128x128xi32>
    %ne3A_34 = arith.constant 0 : i32
    %ne3A_35 = vector.broadcast %ne3A_34 : i32 to vector<128x128xi32>
    %ne3A_36 = arith.cmpi ne, %rem3A_33, %ne3A_35 : vector<128x128xi32>
    %lt3A = arith.constant 0 : i32
    %lt3A_37 = vector.broadcast %lt3A : i32 to vector<128x128xi32>
    %lt3A_38 = arith.cmpi slt, %rem3A_33, %lt3A_37 : vector<128x128xi32>
    %lt3A_39 = arith.constant 0 : i32
    %lt3A_40 = arith.cmpi slt, %select_n3A_31, %lt3A_39 : i32
    %ne3A_41 = vector.broadcast %lt3A_40 : i1 to vector<128x128xi1>
    %ne3A_42 = vector.broadcast %ne3A_41 : vector<128x128xi1> to vector<128x128xi1>
    %ne3A_43 = arith.xori %lt3A_38, %ne3A_42 : vector<128x128xi1>
    %and3A_44 = arith.andi %ne3A_43, %ne3A_36 : vector<128x128xi1>
    %add3A = vector.broadcast %select_n3A_31 : i32 to vector<128x128xi32>
    %add3A_45 = arith.addi %rem3A_33, %add3A : vector<128x128xi32>
    %select_n3A_46 = arith.select %and3A_44, %add3A_45, %rem3A_33 : vector<128x128xi1>, vector<128x128xi32>
    %jit3A_47 = arith.constant 8 : i32
    %eq3A_48 = arith.constant 0 : i32
    %eq3A_49 = arith.cmpi eq, %jit3A_47, %eq3A_48 : i32
    %jit3A_50 = arith.constant 1 : i32
    %select_n3A_51 = arith.select %eq3A_49, %jit3A_50, %jit3A_47 : i32
    %rem3A_52 = vector.broadcast %select_n3A_51 : i32 to vector<128x128xi32>
    %rem3A_53 = arith.remsi %iota3A_26, %rem3A_52 : vector<128x128xi32>
    %ne3A_54 = arith.constant 0 : i32
    %ne3A_55 = vector.broadcast %ne3A_54 : i32 to vector<128x128xi32>
    %ne3A_56 = arith.cmpi ne, %rem3A_53, %ne3A_55 : vector<128x128xi32>
    %lt3A_57 = arith.constant 0 : i32
    %lt3A_58 = vector.broadcast %lt3A_57 : i32 to vector<128x128xi32>
    %lt3A_59 = arith.cmpi slt, %rem3A_53, %lt3A_58 : vector<128x128xi32>
    %lt3A_60 = arith.constant 0 : i32
    %lt3A_61 = arith.cmpi slt, %select_n3A_51, %lt3A_60 : i32
    %ne3A_62 = vector.broadcast %lt3A_61 : i1 to vector<128x128xi1>
    %ne3A_63 = vector.broadcast %ne3A_62 : vector<128x128xi1> to vector<128x128xi1>
    %ne3A_64 = arith.xori %lt3A_59, %ne3A_63 : vector<128x128xi1>
    %and3A_65 = arith.andi %ne3A_64, %ne3A_56 : vector<128x128xi1>
    %add3A_66 = vector.broadcast %select_n3A_51 : i32 to vector<128x128xi32>
    %add3A_67 = arith.addi %rem3A_53, %add3A_66 : vector<128x128xi32>
    %select_n3A_68 = arith.select %and3A_65, %add3A_67, %rem3A_53 : vector<128x128xi1>, vector<128x128xi32>
    %eq3A_69 = arith.cmpi eq, %select_n3A_46, %select_n3A_68 : vector<128x128xi32>
    %convert_element_type3A_70 = arith.extui %eq3A_69 : vector<128x128xi1> to vector<128x128xi32>
    %convert_element_type3A_71 = arith.sitofp %convert_element_type3A_70 : vector<128x128xi32> to vector<128x128xf32>
    %iota3A_72 = tpu.iota {dimensions = array<i32: 0>} : vector<6400x128xi32>
    %jit3A_73 = arith.constant 16 : i32
    %eq3A_74 = arith.constant 0 : i32
    %eq3A_75 = arith.cmpi eq, %jit3A_73, %eq3A_74 : i32
    %jit3A_76 = arith.constant 1 : i32
    %select_n3A_77 = arith.select %eq3A_75, %jit3A_76, %jit3A_73 : i32
    %rem3A_78 = vector.broadcast %select_n3A_77 : i32 to vector<6400x128xi32>
    %rem3A_79 = arith.remsi %iota3A_72, %rem3A_78 : vector<6400x128xi32>
    %ne3A_80 = arith.constant 0 : i32
    %ne3A_81 = vector.broadcast %ne3A_80 : i32 to vector<6400x128xi32>
    %ne3A_82 = arith.cmpi ne, %rem3A_79, %ne3A_81 : vector<6400x128xi32>
    %lt3A_83 = arith.constant 0 : i32
    %lt3A_84 = vector.broadcast %lt3A_83 : i32 to vector<6400x128xi32>
    %lt3A_85 = arith.cmpi slt, %rem3A_79, %lt3A_84 : vector<6400x128xi32>
    %lt3A_86 = arith.constant 0 : i32
    %lt3A_87 = arith.cmpi slt, %select_n3A_77, %lt3A_86 : i32
    %ne3A_88 = vector.broadcast %lt3A_87 : i1 to vector<6400x128xi1>
    %ne3A_89 = vector.broadcast %ne3A_88 : vector<6400x128xi1> to vector<6400x128xi1>
    %ne3A_90 = arith.xori %lt3A_85, %ne3A_89 : vector<6400x128xi1>
    %and3A_91 = arith.andi %ne3A_90, %ne3A_82 : vector<6400x128xi1>
    %add3A_92 = vector.broadcast %select_n3A_77 : i32 to vector<6400x128xi32>
    %add3A_93 = arith.addi %rem3A_79, %add3A_92 : vector<6400x128xi32>
    %select_n3A_94 = arith.select %and3A_91, %add3A_93, %rem3A_79 : vector<6400x128xi1>, vector<6400x128xi32>
    %iota3A_95 = tpu.iota {dimensions = array<i32: 1>} : vector<6400x128xi32>
    %jit3A_96 = arith.constant 8 : i32
    %div3A_97 = vector.broadcast %jit3A_96 : i32 to vector<6400x128xi32>
    %div3A_98 = arith.divsi %iota3A_95, %div3A_97 : vector<6400x128xi32>
    %sign3A_99 = arith.constant 0 : i32
    %sign3A_100 = vector.broadcast %sign3A_99 : i32 to vector<6400x128xi32>
    %sign3A_101 = arith.cmpi sgt, %iota3A_95, %sign3A_100 : vector<6400x128xi32>
    %sign3A_102 = arith.extui %sign3A_101 : vector<6400x128xi1> to vector<6400x128xi32>
    %sign3A_103 = arith.constant 0 : i32
    %sign3A_104 = vector.broadcast %sign3A_103 : i32 to vector<6400x128xi32>
    %sign3A_105 = arith.cmpi slt, %iota3A_95, %sign3A_104 : vector<6400x128xi32>
    %sign3A_106 = arith.extui %sign3A_105 : vector<6400x128xi1> to vector<6400x128xi32>
    %sign3A_107 = arith.subi %sign3A_102, %sign3A_106 : vector<6400x128xi32>
    %sign3A_108 = arith.constant 0 : i32
    %sign3A_109 = arith.cmpi sgt, %jit3A_96, %sign3A_108 : i32
    %sign3A_110 = arith.extui %sign3A_109 : i1 to i32
    %sign3A_111 = arith.constant 0 : i32
    %sign3A_112 = arith.cmpi slt, %jit3A_96, %sign3A_111 : i32
    %sign3A_113 = arith.extui %sign3A_112 : i1 to i32
    %sign3A_114 = arith.subi %sign3A_110, %sign3A_113 : i32
    %ne3A_115 = vector.broadcast %sign3A_114 : i32 to vector<6400x128xi32>
    %ne3A_116 = arith.cmpi ne, %sign3A_107, %ne3A_115 : vector<6400x128xi32>
    %rem3A_117 = vector.broadcast %jit3A_96 : i32 to vector<6400x128xi32>
    %rem3A_118 = arith.remsi %iota3A_95, %rem3A_117 : vector<6400x128xi32>
    %ne3A_119 = arith.constant 0 : i32
    %ne3A_120 = vector.broadcast %ne3A_119 : i32 to vector<6400x128xi32>
    %ne3A_121 = arith.cmpi ne, %rem3A_118, %ne3A_120 : vector<6400x128xi32>
    %and3A_122 = arith.andi %ne3A_116, %ne3A_121 : vector<6400x128xi1>
    %sub3A_123 = arith.constant 1 : i32
    %sub3A_124 = vector.broadcast %sub3A_123 : i32 to vector<6400x128xi32>
    %sub3A_125 = arith.subi %div3A_98, %sub3A_124 : vector<6400x128xi32>
    %select_n3A_126 = arith.select %and3A_122, %sub3A_125, %div3A_98 : vector<6400x128xi1>, vector<6400x128xi32>
    %eq3A_127 = arith.cmpi eq, %select_n3A_94, %select_n3A_126 : vector<6400x128xi32>
    %get3A = arith.constant 0 : index
    %get3A_128 = arith.constant 0 : index
    %get3A_129 = vector.load %arg7[%get3A, %get3A_128] : memref<8x128xf32, #tpu.memory_space<vmem>>, vector<8x128xf32>
    %get3A_130 = arith.constant 0 : index
    %get3A_131 = arith.constant 0 : index
    %get3A_132 = vector.load %arg1[%get3A_130, %get3A_131] : memref<6400x128xf32, #tpu.memory_space<vmem>>, vector<6400x128xf32>
    %bitcast_convert_type3A = tpu.bitcast %get3A_132 : vector<6400x128xf32> -> vector<6400x128xi32>
    %shift_left3A = arith.constant 16 : i32
    %shift_left3A_133 = vector.broadcast %shift_left3A : i32 to vector<6400x128xi32>
    %shift_left3A_134 = arith.shli %bitcast_convert_type3A, %shift_left3A_133 : vector<6400x128xi32>
    %bitcast_convert_type3A_135 = tpu.bitcast %shift_left3A_134 : vector<6400x128xi32> -> vector<6400x128xf32>
    %and3A_136 = arith.constant -65536 : i32
    %and3A_137 = vector.broadcast %and3A_136 : i32 to vector<6400x128xi32>
    %and3A_138 = arith.andi %bitcast_convert_type3A, %and3A_137 : vector<6400x128xi32>
    %bitcast_convert_type3A_139 = tpu.bitcast %and3A_138 : vector<6400x128xi32> -> vector<6400x128xf32>
    %get3A_140 = arith.constant 0 : index
    %get3A_141 = arith.constant 0 : index
    %get3A_142 = arith.constant 0 : index
    %get3A_143 = vector.load %arg2[%get3A_140, %get3A_141, %get3A_142] : memref<400x16x16xf32, #tpu.memory_space<vmem>>, vector<400x16x16xf32>
    %reshape3A = vector.shape_cast %get3A_143 : vector<400x16x16xf32> to vector<6400x16xf32>
    %get3A_144 = arith.constant 0 : index
    %get3A_145 = arith.constant 0 : index
    %get3A_146 = vector.load %arg5[%get3A_144, %get3A_145] : memref<16x128xf32, #tpu.memory_space<vmem>>, vector<16x128xf32>
    %dot_general3A = arith.constant dense<0.000000e+00> : vector<6400x128xf32>
    %dot_general3A_147 = tpu.matmul %reshape3A, %get3A_146, %dot_general3A {dimension_numbers = #tpu.dot_dimension_numbers<[1], [0], [0], [1], [0, 0, 1, 1], [], []>, transpose_lhs_hint = false} : vector<6400x16xf32>, vector<16x128xf32>, vector<6400x128xf32> -> vector<6400x128xf32>
    %slice3A = vector.extract_strided_slice %get3A_129 {offsets = [2, 0], sizes = [1, 128], strides = [1, 1]} : vector<8x128xf32> to vector<1x128xf32>
    %add3A_148 = vector.broadcast %slice3A : vector<1x128xf32> to vector<6400x128xf32>
    %add3A_149 = arith.addf %dot_general3A_147, %add3A_148 : vector<6400x128xf32>
    %add3A_150 = arith.addf %bitcast_convert_type3A_135, %add3A_149 : vector<6400x128xf32>
    %add3A_151 = arith.addf %bitcast_convert_type3A_139, %add3A_149 : vector<6400x128xf32>
    %get3A_152 = arith.constant 0 : index
    %get3A_153 = arith.constant 0 : index
    %get3A_154 = vector.load %arg3[%get3A_152, %get3A_153] : memref<400x128xf32, #tpu.memory_space<vmem>>, vector<400x128xf32>
    %broadcast_in_dim3A = vector.shape_cast %get3A_154 : vector<400x128xf32> to vector<400x1x128xf32>
    %broadcast_in_dim3A_155 = vector.shape_cast %broadcast_in_dim3A : vector<400x1x128xf32> to vector<400x1x128xf32>
    %broadcast_in_dim3A_156 = vector.broadcast %broadcast_in_dim3A_155 : vector<400x1x128xf32> to vector<400x16x128xf32>
    %reshape3A_157 = vector.shape_cast %broadcast_in_dim3A_156 : vector<400x16x128xf32> to vector<6400x128xf32>
    %jit3A_158 = arith.constant 0.000000e+00 : f32
    %broadcast_in_dim3A_159 = vector.broadcast %jit3A_158 : f32 to vector<6400x128xf32>
    %select_n3A_160 = arith.select %eq3A_127, %reshape3A_157, %broadcast_in_dim3A_159 : vector<6400x128xi1>, vector<6400x128xf32>
    %dot_general3A_161 = arith.constant dense<0.000000e+00> : vector<6400x128xf32>
    %dot_general3A_162 = tpu.matmul %select_n3A_160, %convert_element_type3A_71, %dot_general3A_161 {dimension_numbers = #tpu.dot_dimension_numbers<[1], [0], [0], [1], [0, 0, 1, 1], [], []>, transpose_lhs_hint = false} : vector<6400x128xf32>, vector<128x128xf32>, vector<6400x128xf32> -> vector<6400x128xf32>
    %mul3A = arith.mulf %add3A_150, %dot_general3A_162 : vector<6400x128xf32>
    %dot_general3A_163 = arith.constant dense<0.000000e+00> : vector<6400x16xf32>
    %dot_general3A_164 = tpu.matmul %mul3A, %convert_element_type3A_24, %dot_general3A_163 {dimension_numbers = #tpu.dot_dimension_numbers<[1], [0], [0], [1], [0, 0, 1, 1], [], []>, transpose_lhs_hint = false} : vector<6400x128xf32>, vector<128x16xf32>, vector<6400x16xf32> -> vector<6400x16xf32>
    %mul3A_165 = arith.constant 0.353553385 : f32
    %mul3A_166 = vector.broadcast %mul3A_165 : f32 to vector<6400x16xf32>
    %mul3A_167 = arith.mulf %dot_general3A_164, %mul3A_166 : vector<6400x16xf32>
    %exp3A = math.exp %mul3A_167 : vector<6400x16xf32>
    %reduce_sum3A = arith.constant dense<0.000000e+00> : vector<6400xf32>
    %reduce_sum3A_168 = vector.multi_reduction <add>, %exp3A, %reduce_sum3A [1] : vector<6400x16xf32> to vector<6400xf32>
    %broadcast_in_dim3A_169 = vector.shape_cast %reduce_sum3A_168 : vector<6400xf32> to vector<6400x1xf32>
    %div3A_170 = vector.broadcast %broadcast_in_dim3A_169 : vector<6400x1xf32> to vector<6400x16xf32>
    %div3A_171 = arith.divf %exp3A, %div3A_170 : vector<6400x16xf32>
    %transpose3A = tpu.transpose %convert_element_type3A_24, [1, 0] : vector<128x16xf32> -> vector<16x128xf32>
    %dot_general3A_172 = arith.constant dense<0.000000e+00> : vector<6400x128xf32>
    %dot_general3A_173 = tpu.matmul %div3A_171, %transpose3A, %dot_general3A_172 {dimension_numbers = #tpu.dot_dimension_numbers<[1], [0], [0], [1], [0, 0, 1, 1], [], []>, transpose_lhs_hint = false} : vector<6400x16xf32>, vector<16x128xf32>, vector<6400x128xf32> -> vector<6400x128xf32>
    %mul3A_174 = arith.mulf %dot_general3A_173, %add3A_151 : vector<6400x128xf32>
    %dot_general3A_175 = arith.constant dense<0.000000e+00> : vector<6400x128xf32>
    %dot_general3A_176 = tpu.matmul %mul3A_174, %convert_element_type3A_71, %dot_general3A_175 {dimension_numbers = #tpu.dot_dimension_numbers<[1], [0], [0], [1], [0, 0, 1, 1], [], []>, transpose_lhs_hint = false} : vector<6400x128xf32>, vector<128x128xf32>, vector<6400x128xf32> -> vector<6400x128xf32>
    %jit3A_177 = arith.constant 0.000000e+00 : f32
    %broadcast_in_dim3A_178 = vector.broadcast %jit3A_177 : f32 to vector<6400x128xf32>
    %select_n3A_179 = arith.select %eq3A_127, %dot_general3A_176, %broadcast_in_dim3A_178 : vector<6400x128xi1>, vector<6400x128xf32>
    %reshape3A_180 = vector.shape_cast %select_n3A_179 : vector<6400x128xf32> to vector<400x16x128xf32>
    %reduce_sum3A_181 = arith.constant dense<0.000000e+00> : vector<400x128xf32>
    %reduce_sum3A_182 = vector.multi_reduction <add>, %reshape3A_180, %reduce_sum3A_181 [1] : vector<400x16x128xf32> to vector<400x128xf32>
    %get3A_183 = arith.constant 0 : index
    %get3A_184 = arith.constant 0 : index
    %get3A_185 = vector.load %arg6[%get3A_183, %get3A_184] : memref<128x128xf32, #tpu.memory_space<vmem>>, vector<128x128xf32>
    %dot_general3A_186 = arith.constant dense<0.000000e+00> : vector<400x128xf32>
    %dot_general3A_187 = tpu.matmul %reduce_sum3A_182, %get3A_185, %dot_general3A_186 {dimension_numbers = #tpu.dot_dimension_numbers<[1], [0], [0], [1], [0, 0, 1, 1], [], []>, transpose_lhs_hint = false} : vector<400x128xf32>, vector<128x128xf32>, vector<400x128xf32> -> vector<400x128xf32>
    %slice3A_188 = vector.extract_strided_slice %get3A_129 {offsets = [3, 0], sizes = [1, 128], strides = [1, 1]} : vector<8x128xf32> to vector<1x128xf32>
    %add3A_189 = vector.broadcast %slice3A_188 : vector<1x128xf32> to vector<400x128xf32>
    %add3A_190 = arith.addf %dot_general3A_187, %add3A_189 : vector<400x128xf32>
    %get3A_191 = arith.constant 0 : index
    %get3A_192 = arith.constant 0 : index
    %get3A_193 = vector.load %arg4[%get3A_191, %get3A_192] : memref<400x128xf32, #tpu.memory_space<vmem>>, vector<400x128xf32>
    %slice3A_194 = vector.extract_strided_slice %get3A_129 {offsets = [0, 0], sizes = [1, 128], strides = [1, 1]} : vector<8x128xf32> to vector<1x128xf32>
    %mul3A_195 = vector.broadcast %slice3A_194 : vector<1x128xf32> to vector<400x128xf32>
    %mul3A_196 = arith.mulf %add3A_190, %mul3A_195 : vector<400x128xf32>
    %reduce_sum3A_197 = arith.constant dense<0.000000e+00> : vector<400xf32>
    %reduce_sum3A_198 = vector.multi_reduction <add>, %mul3A_196, %reduce_sum3A_197 [1] : vector<400x128xf32> to vector<400xf32>
    %broadcast_in_dim3A_199 = vector.shape_cast %reduce_sum3A_198 : vector<400xf32> to vector<400x1xf32>
    %slice3A_200 = vector.extract_strided_slice %get3A_129 {offsets = [1, 0], sizes = [1, 128], strides = [1, 1]} : vector<8x128xf32> to vector<1x128xf32>
    %mul3A_201 = vector.broadcast %slice3A_200 : vector<1x128xf32> to vector<400x128xf32>
    %mul3A_202 = arith.mulf %get3A_193, %mul3A_201 : vector<400x128xf32>
    %reduce_sum3A_203 = arith.constant dense<0.000000e+00> : vector<400xf32>
    %reduce_sum3A_204 = vector.multi_reduction <add>, %mul3A_202, %reduce_sum3A_203 [1] : vector<400x128xf32> to vector<400xf32>
    %broadcast_in_dim3A_205 = vector.shape_cast %reduce_sum3A_204 : vector<400xf32> to vector<400x1xf32>
    %add3A_206 = arith.addf %broadcast_in_dim3A_199, %broadcast_in_dim3A_205 : vector<400x1xf32>
    %slice3A_207 = vector.extract_strided_slice %get3A_129 {offsets = [6, 0], sizes = [1, 1], strides = [1, 1]} : vector<8x128xf32> to vector<1x1xf32>
    %add3A_208 = vector.broadcast %slice3A_207 : vector<1x1xf32> to vector<400x1xf32>
    %add3A_209 = arith.addf %add3A_206, %add3A_208 : vector<400x1xf32>
    %neg3A = arith.constant 0.000000e+00 : f32
    %neg3A_210 = vector.broadcast %neg3A : f32 to vector<400x1xf32>
    %neg3A_211 = arith.subf %neg3A_210, %add3A_209 : vector<400x1xf32>
    %exp3A_212 = math.exp %neg3A_211 : vector<400x1xf32>
    %add3A_213 = arith.constant 1.000000e+00 : f32
    %add3A_214 = vector.broadcast %add3A_213 : f32 to vector<400x1xf32>
    %add3A_215 = arith.addf %add3A_214, %exp3A_212 : vector<400x1xf32>
    %div3A_216 = arith.constant 1.000000e+00 : f32
    %div3A_217 = vector.broadcast %div3A_216 : f32 to vector<400x1xf32>
    %div3A_218 = arith.divf %div3A_217, %add3A_215 : vector<400x1xf32>
    %mul3A_219 = vector.broadcast %div3A_218 : vector<400x1xf32> to vector<400x128xf32>
    %mul3A_220 = arith.mulf %mul3A_219, %add3A_190 : vector<400x128xf32>
    %sub3A_221 = arith.constant 1.000000e+00 : f32
    %sub3A_222 = vector.broadcast %sub3A_221 : f32 to vector<400x1xf32>
    %sub3A_223 = arith.subf %sub3A_222, %div3A_218 : vector<400x1xf32>
    %mul3A_224 = vector.broadcast %sub3A_223 : vector<400x1xf32> to vector<400x128xf32>
    %mul3A_225 = arith.mulf %mul3A_224, %get3A_193 : vector<400x128xf32>
    %add3A_226 = arith.addf %mul3A_220, %mul3A_225 : vector<400x128xf32>
    %reduce_sum3A_227 = arith.constant dense<0.000000e+00> : vector<400xf32>
    %reduce_sum3A_228 = vector.multi_reduction <add>, %add3A_226, %reduce_sum3A_227 [1] : vector<400x128xf32> to vector<400xf32>
    %broadcast_in_dim3A_229 = vector.shape_cast %reduce_sum3A_228 : vector<400xf32> to vector<400x1xf32>
    %div3A_230 = arith.constant 1.280000e+02 : f32
    %div3A_231 = vector.broadcast %div3A_230 : f32 to vector<400x1xf32>
    %div3A_232 = arith.divf %broadcast_in_dim3A_229, %div3A_231 : vector<400x1xf32>
    %sub3A_233 = vector.broadcast %div3A_232 : vector<400x1xf32> to vector<400x128xf32>
    %sub3A_234 = arith.subf %add3A_226, %sub3A_233 : vector<400x128xf32>
    %integer_pow3A = arith.mulf %sub3A_234, %sub3A_234 : vector<400x128xf32>
    %reduce_sum3A_235 = arith.constant dense<0.000000e+00> : vector<400xf32>
    %reduce_sum3A_236 = vector.multi_reduction <add>, %integer_pow3A, %reduce_sum3A_235 [1] : vector<400x128xf32> to vector<400xf32>
    %broadcast_in_dim3A_237 = vector.shape_cast %reduce_sum3A_236 : vector<400xf32> to vector<400x1xf32>
    %div3A_238 = arith.constant 1.280000e+02 : f32
    %div3A_239 = vector.broadcast %div3A_238 : f32 to vector<400x1xf32>
    %div3A_240 = arith.divf %broadcast_in_dim3A_237, %div3A_239 : vector<400x1xf32>
    %sub3A_241 = vector.broadcast %div3A_232 : vector<400x1xf32> to vector<400x128xf32>
    %sub3A_242 = arith.subf %add3A_226, %sub3A_241 : vector<400x128xf32>
    %add3A_243 = arith.constant 9.99999974E-6 : f32
    %add3A_244 = vector.broadcast %add3A_243 : f32 to vector<400x1xf32>
    %add3A_245 = arith.addf %div3A_240, %add3A_244 : vector<400x1xf32>
    %rsqrt3A = math.rsqrt %add3A_245 : vector<400x1xf32>
    %mul3A_246 = vector.broadcast %rsqrt3A : vector<400x1xf32> to vector<400x128xf32>
    %mul3A_247 = arith.mulf %sub3A_242, %mul3A_246 : vector<400x128xf32>
    %slice3A_248 = vector.extract_strided_slice %get3A_129 {offsets = [4, 0], sizes = [1, 128], strides = [1, 1]} : vector<8x128xf32> to vector<1x128xf32>
    %mul3A_249 = vector.broadcast %slice3A_248 : vector<1x128xf32> to vector<400x128xf32>
    %mul3A_250 = arith.mulf %mul3A_247, %mul3A_249 : vector<400x128xf32>
    %slice3A_251 = vector.extract_strided_slice %get3A_129 {offsets = [5, 0], sizes = [1, 128], strides = [1, 1]} : vector<8x128xf32> to vector<1x128xf32>
    %add3A_252 = vector.broadcast %slice3A_251 : vector<1x128xf32> to vector<400x128xf32>
    %add3A_253 = arith.addf %mul3A_250, %add3A_252 : vector<400x128xf32>
    %swap3A = arith.constant 0 : index
    %swap3A_254 = arith.constant 0 : index
    %swap3A_255 = vector.load %arg8[%swap3A, %swap3A_254] : memref<400x128xf32, #tpu.memory_space<vmem>>, vector<400x128xf32>
    tpu.vector_store %arg8[%swap3A, %swap3A_254], %add3A_253 {strides = array<i32>} : memref<400x128xf32, #tpu.memory_space<vmem>>, vector<400x128xf32>,
    return
  }
  func.func @transform_0(%arg0: i32) -> (i32, i32) {
    %c0_i32 = arith.constant 0 : i32
    %c0_i32_0 = arith.constant 0 : i32
    return %arg0, %c0_i32 : i32, i32
  }
  func.func @transform_1(%arg0: i32) -> (i32, i32, i32) {
    %add3A = arith.constant 16 : i32
    %add3A_0 = arith.addi %arg0, %add3A : i32
    %c0_i32 = arith.constant 0 : i32
    %c0_i32_1 = arith.constant 0 : i32
    %c0_i32_2 = arith.constant 0 : i32
    return %add3A_0, %c0_i32, %c0_i32_1 : i32, i32, i32
  }
  func.func @transform_2(%arg0: i32) -> (i32, i32) {
    %add3A = arith.constant 16 : i32
    %add3A_0 = arith.addi %arg0, %add3A : i32
    %c0_i32 = arith.constant 0 : i32
    %c0_i32_1 = arith.constant 0 : i32
    return %add3A_0, %c0_i32 : i32, i32
  }
  func.func @transform_3(%arg0: i32) -> (i32, i32) {
    %add3A = arith.constant 16 : i32
    %add3A_0 = arith.addi %arg0, %add3A : i32
    %c0_i32 = arith.constant 0 : i32
    %c0_i32_1 = arith.constant 0 : i32
    return %add3A_0, %c0_i32 : i32, i32
  }
  func.func @transform_4(%arg0: i32) -> (i32, i32) {
    %c0_i32 = arith.constant 0 : i32
    %c0_i32_0 = arith.constant 0 : i32
    %c0_i32_1 = arith.constant 0 : i32
    return %c0_i32, %c0_i32_0 : i32, i32
  }
  func.func @transform_5(%arg0: i32) -> (i32, i32) {
    %c0_i32 = arith.constant 0 : i32
    %c0_i32_0 = arith.constant 0 : i32
    %c0_i32_1 = arith.constant 0 : i32
    return %c0_i32, %c0_i32_0 : i32, i32
  }
  func.func @transform_6(%arg0: i32) -> (i32, i32) {
    %c0_i32 = arith.constant 0 : i32
    %c0_i32_0 = arith.constant 0 : i32
    %c0_i32_1 = arith.constant 0 : i32
    return %c0_i32, %c0_i32_0 : i32, i32
  }
  func.func @transform_7(%arg0: i32) -> (i32, i32) {
    %c0_i32 = arith.constant 0 : i32
    %c0_i32_0 = arith.constant 0 : i32
    return %arg0, %c0_i32 : i32, i32
  }
}

module attributes {stable_mosaic.version = 14 : i64} {
  func.func @_attn_body(%arg0: i32, %arg1: memref<6400x128xf32, #tpu.memory_space<vmem>>, %arg2: memref<400x16x16xf32, #tpu.memory_space<vmem>>, %arg3: memref<400x128xf32, #tpu.memory_space<vmem>>, %arg4: memref<400x128xf32, #tpu.memory_space<vmem>>, %arg5: memref<16x128xf32, #tpu.memory_space<vmem>>, %arg6: memref<128x128xf32, #tpu.memory_space<vmem>>, %arg7: memref<8x128xf32, #tpu.memory_space<vmem>>, %arg8: memref<400x128xf32, #tpu.memory_space<vmem>>) attributes {dimension_semantics = [#tpu.dimension_semantics<arbitrary>], iteration_bounds = array<i64: 16>, scalar_prefetch = 0 : i64, scratch_operands = 0 : i64, tpu.core_type = #tpu.core_type<tc>, window_params = [{transform_indices = @transform_0, window_bounds = array<i64: 6400, 128>}, {transform_indices = @transform_1, window_bounds = array<i64: 400, 16, 16>}, {transform_indices = @transform_2, window_bounds = array<i64: 400, 128>}, {transform_indices = @transform_3, window_bounds = array<i64: 400, 128>}, {pipeline_mode = #tpu.pipeline_mode<synchronous>, transform_indices = @transform_4, window_bounds = array<i64: 16, 128>}, {pipeline_mode = #tpu.pipeline_mode<synchronous>, transform_indices = @transform_5, window_bounds = array<i64: 128, 128>}, {pipeline_mode = #tpu.pipeline_mode<synchronous>, transform_indices = @transform_6, window_bounds = array<i64: 8, 128>}, {transform_indices = @transform_7, window_bounds = array<i64: 400, 128>}]} {
    %iota3A = tpu.iota {dimensions = array<i32: 0>} : vector<128x16xi32>
    %iota3A_0 = tpu.iota {dimensions = array<i32: 1>} : vector<128x16xi32>
    %jit3A = arith.constant 8 : i32
    %div3A = vector.broadcast %jit3A : i32 to vector<128x16xi32>
    %div3A_1 = arith.divsi %iota3A, %div3A : vector<128x16xi32>
    %sign3A = arith.constant 0 : i32
    %sign3A_2 = vector.broadcast %sign3A : i32 to vector<128x16xi32>
    %sign3A_3 = arith.cmpi sgt, %iota3A, %sign3A_2 : vector<128x16xi32>
    %sign3A_4 = arith.extui %sign3A_3 : vector<128x16xi1> to vector<128x16xi32>
    %sign3A_5 = arith.constant 0 : i32
    %sign3A_6 = vector.broadcast %sign3A_5 : i32 to vector<128x16xi32>
    %sign3A_7 = arith.cmpi slt, %iota3A, %sign3A_6 : vector<128x16xi32>
    %sign3A_8 = arith.extui %sign3A_7 : vector<128x16xi1> to vector<128x16xi32>
    %sign3A_9 = arith.subi %sign3A_4, %sign3A_8 : vector<128x16xi32>
    %sign3A_10 = arith.constant 0 : i32
    %sign3A_11 = arith.cmpi sgt, %jit3A, %sign3A_10 : i32
    %sign3A_12 = arith.extui %sign3A_11 : i1 to i32
    %sign3A_13 = arith.constant 0 : i32
    %sign3A_14 = arith.cmpi slt, %jit3A, %sign3A_13 : i32
    %sign3A_15 = arith.extui %sign3A_14 : i1 to i32
    %sign3A_16 = arith.subi %sign3A_12, %sign3A_15 : i32
    %ne3A = vector.broadcast %sign3A_16 : i32 to vector<128x16xi32>
    %ne3A_17 = arith.cmpi ne, %sign3A_9, %ne3A : vector<128x16xi32>
    %rem3A = vector.broadcast %jit3A : i32 to vector<128x16xi32>
    %rem3A_18 = arith.remsi %iota3A, %rem3A : vector<128x16xi32>
    %ne3A_19 = arith.constant 0 : i32
    %ne3A_20 = vector.broadcast %ne3A_19 : i32 to vector<128x16xi32>
    %ne3A_21 = arith.cmpi ne, %rem3A_18, %ne3A_20 : vector<128x16xi32>
    %and3A = arith.andi %ne3A_17, %ne3A_21 : vector<128x16xi1>
    %sub3A = arith.constant 1 : i32
    %sub3A_22 = vector.broadcast %sub3A : i32 to vector<128x16xi32>
    %sub3A_23 = arith.subi %div3A_1, %sub3A_22 : vector<128x16xi32>
    %select_n3A = arith.select %and3A, %sub3A_23, %div3A_1 : vector<128x16xi1>, vector<128x16xi32>
    %eq3A = arith.cmpi eq, %select_n3A, %iota3A_0 : vector<128x16xi32>
    %convert_element_type3A = arith.extui %eq3A : vector<128x16xi1> to vector<128x16xi32>
    %convert_element_type3A_24 = arith.sitofp %convert_element_type3A : vector<128x16xi32> to vector<128x16xf32>
    %iota3A_25 = tpu.iota {dimensions = array<i32: 0>} : vector<128x128xi32>
    %iota3A_26 = tpu.iota {dimensions = array<i32: 1>} : vector<128x128xi32>
    %jit3A_27 = arith.constant 8 : i32
    %eq3A_28 = arith.constant 0 : i32
    %eq3A_29 = arith.cmpi eq, %jit3A_27, %eq3A_28 : i32
    %jit3A_30 = arith.constant 1 : i32
    %select_n3A_31 = arith.select %eq3A_29, %jit3A_30, %jit3A_27 : i32
    %rem3A_32 = vector.broadcast %select_n3A_31 : i32 to vector<128x128xi32>
    %rem3A_33 = arith.remsi %iota3A_25, %rem3A_32 : vector<128x128xi32>
    %ne3A_34 = arith.constant 0 : i32
    %ne3A_35 = vector.broadcast %ne3A_34 : i32 to vector<128x128xi32>
    %ne3A_36 = arith.cmpi ne, %rem3A_33, %ne3A_35 : vector<128x128xi32>
    %lt3A = arith.constant 0 : i32
    %lt3A_37 = vector.broadcast %lt3A : i32 to vector<128x128xi32>
    %lt3A_38 = arith.cmpi slt, %rem3A_33, %lt3A_37 : vector<128x128xi32>
    %lt3A_39 = arith.constant 0 : i32
    %lt3A_40 = arith.cmpi slt, %select_n3A_31, %lt3A_39 : i32
    %ne3A_41 = vector.broadcast %lt3A_40 : i1 to vector<128x128xi1>
    %ne3A_42 = vector.broadcast %ne3A_41 : vector<128x128xi1> to vector<128x128xi1>
    %ne3A_43 = arith.xori %lt3A_38, %ne3A_42 : vector<128x128xi1>
    %and3A_44 = arith.andi %ne3A_43, %ne3A_36 : vector<128x128xi1>
    %add3A = vector.broadcast %select_n3A_31 : i32 to vector<128x128xi32>
    %add3A_45 = arith.addi %rem3A_33, %add3A : vector<128x128xi32>
    %select_n3A_46 = arith.select %and3A_44, %add3A_45, %rem3A_33 : vector<128x128xi1>, vector<128x128xi32>
    %jit3A_47 = arith.constant 8 : i32
    %eq3A_48 = arith.constant 0 : i32
    %eq3A_49 = arith.cmpi eq, %jit3A_47, %eq3A_48 : i32
    %jit3A_50 = arith.constant 1 : i32
    %select_n3A_51 = arith.select %eq3A_49, %jit3A_50, %jit3A_47 : i32
    %rem3A_52 = vector.broadcast %select_n3A_51 : i32 to vector<128x128xi32>
    %rem3A_53 = arith.remsi %iota3A_26, %rem3A_52 : vector<128x128xi32>
    %ne3A_54 = arith.constant 0 : i32
    %ne3A_55 = vector.broadcast %ne3A_54 : i32 to vector<128x128xi32>
    %ne3A_56 = arith.cmpi ne, %rem3A_53, %ne3A_55 : vector<128x128xi32>
    %lt3A_57 = arith.constant 0 : i32
    %lt3A_58 = vector.broadcast %lt3A_57 : i32 to vector<128x128xi32>
    %lt3A_59 = arith.cmpi slt, %rem3A_53, %lt3A_58 : vector<128x128xi32>
    %lt3A_60 = arith.constant 0 : i32
    %lt3A_61 = arith.cmpi slt, %select_n3A_51, %lt3A_60 : i32
    %ne3A_62 = vector.broadcast %lt3A_61 : i1 to vector<128x128xi1>
    %ne3A_63 = vector.broadcast %ne3A_62 : vector<128x128xi1> to vector<128x128xi1>
    %ne3A_64 = arith.xori %lt3A_59, %ne3A_63 : vector<128x128xi1>
    %and3A_65 = arith.andi %ne3A_64, %ne3A_56 : vector<128x128xi1>
    %add3A_66 = vector.broadcast %select_n3A_51 : i32 to vector<128x128xi32>
    %add3A_67 = arith.addi %rem3A_53, %add3A_66 : vector<128x128xi32>
    %select_n3A_68 = arith.select %and3A_65, %add3A_67, %rem3A_53 : vector<128x128xi1>, vector<128x128xi32>
    %eq3A_69 = arith.cmpi eq, %select_n3A_46, %select_n3A_68 : vector<128x128xi32>
    %convert_element_type3A_70 = arith.extui %eq3A_69 : vector<128x128xi1> to vector<128x128xi32>
    %convert_element_type3A_71 = arith.sitofp %convert_element_type3A_70 : vector<128x128xi32> to vector<128x128xf32>
    %iota3A_72 = tpu.iota {dimensions = array<i32: 0>} : vector<6400x128xi32>
    %jit3A_73 = arith.constant 16 : i32
    %eq3A_74 = arith.constant 0 : i32
    %eq3A_75 = arith.cmpi eq, %jit3A_73, %eq3A_74 : i32
    %jit3A_76 = arith.constant 1 : i32
    %select_n3A_77 = arith.select %eq3A_75, %jit3A_76, %jit3A_73 : i32
    %rem3A_78 = vector.broadcast %select_n3A_77 : i32 to vector<6400x128xi32>
    %rem3A_79 = arith.remsi %iota3A_72, %rem3A_78 : vector<6400x128xi32>
    %ne3A_80 = arith.constant 0 : i32
    %ne3A_81 = vector.broadcast %ne3A_80 : i32 to vector<6400x128xi32>
    %ne3A_82 = arith.cmpi ne, %rem3A_79, %ne3A_81 : vector<6400x128xi32>
    %lt3A_83 = arith.constant 0 : i32
    %lt3A_84 = vector.broadcast %lt3A_83 : i32 to vector<6400x128xi32>
    %lt3A_85 = arith.cmpi slt, %rem3A_79, %lt3A_84 : vector<6400x128xi32>
    %lt3A_86 = arith.constant 0 : i32
    %lt3A_87 = arith.cmpi slt, %select_n3A_77, %lt3A_86 : i32
    %ne3A_88 = vector.broadcast %lt3A_87 : i1 to vector<6400x128xi1>
    %ne3A_89 = vector.broadcast %ne3A_88 : vector<6400x128xi1> to vector<6400x128xi1>
    %ne3A_90 = arith.xori %lt3A_85, %ne3A_89 : vector<6400x128xi1>
    %and3A_91 = arith.andi %ne3A_90, %ne3A_82 : vector<6400x128xi1>
    %add3A_92 = vector.broadcast %select_n3A_77 : i32 to vector<6400x128xi32>
    %add3A_93 = arith.addi %rem3A_79, %add3A_92 : vector<6400x128xi32>
    %select_n3A_94 = arith.select %and3A_91, %add3A_93, %rem3A_79 : vector<6400x128xi1>, vector<6400x128xi32>
    %iota3A_95 = tpu.iota {dimensions = array<i32: 1>} : vector<6400x128xi32>
    %jit3A_96 = arith.constant 8 : i32
    %div3A_97 = vector.broadcast %jit3A_96 : i32 to vector<6400x128xi32>
    %div3A_98 = arith.divsi %iota3A_95, %div3A_97 : vector<6400x128xi32>
    %sign3A_99 = arith.constant 0 : i32
    %sign3A_100 = vector.broadcast %sign3A_99 : i32 to vector<6400x128xi32>
    %sign3A_101 = arith.cmpi sgt, %iota3A_95, %sign3A_100 : vector<6400x128xi32>
    %sign3A_102 = arith.extui %sign3A_101 : vector<6400x128xi1> to vector<6400x128xi32>
    %sign3A_103 = arith.constant 0 : i32
    %sign3A_104 = vector.broadcast %sign3A_103 : i32 to vector<6400x128xi32>
    %sign3A_105 = arith.cmpi slt, %iota3A_95, %sign3A_104 : vector<6400x128xi32>
    %sign3A_106 = arith.extui %sign3A_105 : vector<6400x128xi1> to vector<6400x128xi32>
    %sign3A_107 = arith.subi %sign3A_102, %sign3A_106 : vector<6400x128xi32>
    %sign3A_108 = arith.constant 0 : i32
    %sign3A_109 = arith.cmpi sgt, %jit3A_96, %sign3A_108 : i32
    %sign3A_110 = arith.extui %sign3A_109 : i1 to i32
    %sign3A_111 = arith.constant 0 : i32
    %sign3A_112 = arith.cmpi slt, %jit3A_96, %sign3A_111 : i32
    %sign3A_113 = arith.extui %sign3A_112 : i1 to i32
    %sign3A_114 = arith.subi %sign3A_110, %sign3A_113 : i32
    %ne3A_115 = vector.broadcast %sign3A_114 : i32 to vector<6400x128xi32>
    %ne3A_116 = arith.cmpi ne, %sign3A_107, %ne3A_115 : vector<6400x128xi32>
    %rem3A_117 = vector.broadcast %jit3A_96 : i32 to vector<6400x128xi32>
    %rem3A_118 = arith.remsi %iota3A_95, %rem3A_117 : vector<6400x128xi32>
    %ne3A_119 = arith.constant 0 : i32
    %ne3A_120 = vector.broadcast %ne3A_119 : i32 to vector<6400x128xi32>
    %ne3A_121 = arith.cmpi ne, %rem3A_118, %ne3A_120 : vector<6400x128xi32>
    %and3A_122 = arith.andi %ne3A_116, %ne3A_121 : vector<6400x128xi1>
    %sub3A_123 = arith.constant 1 : i32
    %sub3A_124 = vector.broadcast %sub3A_123 : i32 to vector<6400x128xi32>
    %sub3A_125 = arith.subi %div3A_98, %sub3A_124 : vector<6400x128xi32>
    %select_n3A_126 = arith.select %and3A_122, %sub3A_125, %div3A_98 : vector<6400x128xi1>, vector<6400x128xi32>
    %eq3A_127 = arith.cmpi eq, %select_n3A_94, %select_n3A_126 : vector<6400x128xi32>
    %get3A = arith.constant 0 : index
    %get3A_128 = arith.constant 0 : index
    %get3A_129 = vector.load %arg7[%get3A, %get3A_128] : memref<8x128xf32, #tpu.memory_space<vmem>>, vector<8x128xf32>
    %get3A_130 = arith.constant 0 : index
    %get3A_131 = arith.constant 0 : index
    %get3A_132 = vector.load %arg1[%get3A_130, %get3A_131] : memref<6400x128xf32, #tpu.memory_space<vmem>>, vector<6400x128xf32>
    %bitcast_convert_type3A = tpu.bitcast %get3A_132 : vector<6400x128xf32> -> vector<6400x128xi32>
    %shift_left3A = arith.constant 16 : i32
    %shift_left3A_133 = vector.broadcast %shift_left3A : i32 to vector<6400x128xi32>
    %shift_left3A_134 = arith.shli %bitcast_convert_type3A, %shift_left3A_133 : vector<6400x128xi32>
    %bitcast_convert_type3A_135 = tpu.bitcast %shift_left3A_134 : vector<6400x128xi32> -> vector<6400x128xf32>
    %and3A_136 = arith.constant -65536 : i32
    %and3A_137 = vector.broadcast %and3A_136 : i32 to vector<6400x128xi32>
    %and3A_138 = arith.andi %bitcast_convert_type3A, %and3A_137 : vector<6400x128xi32>
    %bitcast_convert_type3A_139 = tpu.bitcast %and3A_138 : vector<6400x128xi32> -> vector<6400x128xf32>
    %get3A_140 = arith.constant 0 : index
    %get3A_141 = arith.constant 0 : index
    %get3A_142 = arith.constant 0 : index
    %get3A_143 = vector.load %arg2[%get3A_140, %get3A_141, %get3A_142] : memref<400x16x16xf32, #tpu.memory_space<vmem>>, vector<400x16x16xf32>
    %reshape3A = vector.shape_cast %get3A_143 : vector<400x16x16xf32> to vector<6400x16xf32>
    %get3A_144 = arith.constant 0 : index
    %get3A_145 = arith.constant 0 : index
    %get3A_146 = vector.load %arg5[%get3A_144, %get3A_145] : memref<16x128xf32, #tpu.memory_space<vmem>>, vector<16x128xf32>
    %dot_general3A = arith.constant dense<0.000000e+00> : vector<6400x128xf32>
    %dot_general3A_147 = tpu.matmul %reshape3A, %get3A_146, %dot_general3A {dimension_numbers = #tpu.dot_dimension_numbers<[1], [0], [0], [1], [0, 0, 1, 1], [], []>, transpose_lhs_hint = false} : vector<6400x16xf32>, vector<16x128xf32>, vector<6400x128xf32> -> vector<6400x128xf32>
    %slice3A = vector.extract_strided_slice %get3A_129 {offsets = [2, 0], sizes = [1, 128], strides = [1, 1]} : vector<8x128xf32> to vector<1x128xf32>
    %add3A_148 = vector.broadcast %slice3A : vector<1x128xf32> to vector<6400x128xf32>
    %add3A_149 = arith.addf %dot_general3A_147, %add3A_148 : vector<6400x128xf32>
    %add3A_150 = arith.addf %bitcast_convert_type3A_135, %add3A_149 : vector<6400x128xf32>
    %add3A_151 = arith.addf %bitcast_convert_type3A_139, %add3A_149 : vector<6400x128xf32>
    %get3A_152 = arith.constant 0 : index
    %get3A_153 = arith.constant 0 : index
    %get3A_154 = vector.load %arg3[%get3A_152, %get3A_153] : memref<400x128xf32, #tpu.memory_space<vmem>>, vector<400x128xf32>
    %broadcast_in_dim3A = vector.shape_cast %get3A_154 : vector<400x128xf32> to vector<400x1x128xf32>
    %broadcast_in_dim3A_155 = vector.shape_cast %broadcast_in_dim3A : vector<400x1x128xf32> to vector<400x1x128xf32>
    %broadcast_in_dim3A_156 = vector.broadcast %broadcast_in_dim3A_155 : vector<400x1x128xf32> to vector<400x16x128xf32>
    %reshape3A_157 = vector.shape_cast %broadcast_in_dim3A_156 : vector<400x16x128xf32> to vector<6400x128xf32>
    %jit3A_158 = arith.constant 0.000000e+00 : f32
    %broadcast_in_dim3A_159 = vector.broadcast %jit3A_158 : f32 to vector<6400x128xf32>
    %select_n3A_160 = arith.select %eq3A_127, %reshape3A_157, %broadcast_in_dim3A_159 : vector<6400x128xi1>, vector<6400x128xf32>
    %dot_general3A_161 = arith.constant dense<0.000000e+00> : vector<6400x128xf32>
    %dot_general3A_162 = tpu.matmul %select_n3A_160, %convert_element_type3A_71, %dot_general3A_161 {dimension_numbers = #tpu.dot_dimension_numbers<[1], [0], [0], [1], [0, 0, 1, 1], [], []>, transpose_lhs_hint = false} : vector<6400x128xf32>, vector<128x128xf32>, vector<6400x128xf32> -> vector<6400x128xf32>
    %mul3A = arith.mulf %add3A_150, %dot_general3A_162 : vector<6400x128xf32>
    %dot_general3A_163 = arith.constant dense<0.000000e+00> : vector<6400x16xf32>
    %dot_general3A_164 = tpu.matmul %mul3A, %convert_element_type3A_24, %dot_general3A_163 {dimension_numbers = #tpu.dot_dimension_numbers<[1], [0], [0], [1], [0, 0, 1, 1], [], []>, transpose_lhs_hint = false} : vector<6400x128xf32>, vector<128x16xf32>, vector<6400x16xf32> -> vector<6400x16xf32>
    %mul3A_165 = arith.constant 0.353553385 : f32
    %mul3A_166 = vector.broadcast %mul3A_165 : f32 to vector<6400x16xf32>
    %mul3A_167 = arith.mulf %dot_general3A_164, %mul3A_166 : vector<6400x16xf32>
    %exp3A = math.exp %mul3A_167 : vector<6400x16xf32>
    %reduce_sum3A = arith.constant dense<0.000000e+00> : vector<6400xf32>
    %reduce_sum3A_168 = vector.multi_reduction <add>, %exp3A, %reduce_sum3A [1] : vector<6400x16xf32> to vector<6400xf32>
    %broadcast_in_dim3A_169 = vector.shape_cast %reduce_sum3A_168 : vector<6400xf32> to vector<6400x1xf32>
    %div3A_170 = vector.broadcast %broadcast_in_dim3A_169 : vector<6400x1xf32> to vector<6400x16xf32>
    %div3A_171 = arith.divf %exp3A, %div3A_170 : vector<6400x16xf32>
    %transpose3A = tpu.transpose %convert_element_type3A_24, [1, 0] : vector<128x16xf32> -> vector<16x128xf32>
    %dot_general3A_172 = arith.constant dense<0.000000e+00> : vector<6400x128xf32>
    %dot_general3A_173 = tpu.matmul %div3A_171, %transpose3A, %dot_general3A_172 {dimension_numbers = #tpu.dot_dimension_numbers<[1], [0], [0], [1], [0, 0, 1, 1], [], []>, transpose_lhs_hint = false} : vector<6400x16xf32>, vector<16x128xf32>, vector<6400x128xf32> -> vector<6400x128xf32>
    %mul3A_174 = arith.mulf %dot_general3A_173, %add3A_151 : vector<6400x128xf32>
    %dot_general3A_175 = arith.constant dense<0.000000e+00> : vector<6400x128xf32>
    %dot_general3A_176 = tpu.matmul %mul3A_174, %convert_element_type3A_71, %dot_general3A_175 {dimension_numbers = #tpu.dot_dimension_numbers<[1], [0], [0], [1], [0, 0, 1, 1], [], []>, transpose_lhs_hint = false} : vector<6400x128xf32>, vector<128x128xf32>, vector<6400x128xf32> -> vector<6400x128xf32>
    %jit3A_177 = arith.constant 0.000000e+00 : f32
    %broadcast_in_dim3A_178 = vector.broadcast %jit3A_177 : f32 to vector<6400x128xf32>
    %select_n3A_179 = arith.select %eq3A_127, %dot_general3A_176, %broadcast_in_dim3A_178 : vector<6400x128xi1>, vector<6400x128xf32>
    %reshape3A_180 = vector.shape_cast %select_n3A_179 : vector<6400x128xf32> to vector<400x16x128xf32>
    %reduce_sum3A_181 = arith.constant dense<0.000000e+00> : vector<400x128xf32>
    %reduce_sum3A_182 = vector.multi_reduction <add>, %reshape3A_180, %reduce_sum3A_181 [1] : vector<400x16x128xf32> to vector<400x128xf32>
    %get3A_183 = arith.constant 0 : index
    %get3A_184 = arith.constant 0 : index
    %get3A_185 = vector.load %arg6[%get3A_183, %get3A_184] : memref<128x128xf32, #tpu.memory_space<vmem>>, vector<128x128xf32>
    %dot_general3A_186 = arith.constant dense<0.000000e+00> : vector<400x128xf32>
    %dot_general3A_187 = tpu.matmul %reduce_sum3A_182, %get3A_185, %dot_general3A_186 {dimension_numbers = #tpu.dot_dimension_numbers<[1], [0], [0], [1], [0, 0, 1, 1], [], []>, transpose_lhs_hint = false} : vector<400x128xf32>, vector<128x128xf32>, vector<400x128xf32> -> vector<400x128xf32>
    %slice3A_188 = vector.extract_strided_slice %get3A_129 {offsets = [3, 0], sizes = [1, 128], strides = [1, 1]} : vector<8x128xf32> to vector<1x128xf32>
    %add3A_189 = vector.broadcast %slice3A_188 : vector<1x128xf32> to vector<400x128xf32>
    %add3A_190 = arith.addf %dot_general3A_187, %add3A_189 : vector<400x128xf32>
    %get3A_191 = arith.constant 0 : index
    %get3A_192 = arith.constant 0 : index
    %get3A_193 = vector.load %arg4[%get3A_191, %get3A_192] : memref<400x128xf32, #tpu.memory_space<vmem>>, vector<400x128xf32>
    %slice3A_194 = vector.extract_strided_slice %get3A_129 {offsets = [0, 0], sizes = [1, 128], strides = [1, 1]} : vector<8x128xf32> to vector<1x128xf32>
    %mul3A_195 = vector.broadcast %slice3A_194 : vector<1x128xf32> to vector<400x128xf32>
    %mul3A_196 = arith.mulf %add3A_190, %mul3A_195 : vector<400x128xf32>
    %reduce_sum3A_197 = arith.constant dense<0.000000e+00> : vector<400xf32>
    %reduce_sum3A_198 = vector.multi_reduction <add>, %mul3A_196, %reduce_sum3A_197 [1] : vector<400x128xf32> to vector<400xf32>
    %broadcast_in_dim3A_199 = vector.shape_cast %reduce_sum3A_198 : vector<400xf32> to vector<400x1xf32>
    %slice3A_200 = vector.extract_strided_slice %get3A_129 {offsets = [1, 0], sizes = [1, 128], strides = [1, 1]} : vector<8x128xf32> to vector<1x128xf32>
    %mul3A_201 = vector.broadcast %slice3A_200 : vector<1x128xf32> to vector<400x128xf32>
    %mul3A_202 = arith.mulf %get3A_193, %mul3A_201 : vector<400x128xf32>
    %reduce_sum3A_203 = arith.constant dense<0.000000e+00> : vector<400xf32>
    %reduce_sum3A_204 = vector.multi_reduction <add>, %mul3A_202, %reduce_sum3A_203 [1] : vector<400x128xf32> to vector<400xf32>
    %broadcast_in_dim3A_205 = vector.shape_cast %reduce_sum3A_204 : vector<400xf32> to vector<400x1xf32>
    %add3A_206 = arith.addf %broadcast_in_dim3A_199, %broadcast_in_dim3A_205 : vector<400x1xf32>
    %slice3A_207 = vector.extract_strided_slice %get3A_129 {offsets = [6, 0], sizes = [1, 1], strides = [1, 1]} : vector<8x128xf32> to vector<1x1xf32>
    %add3A_208 = vector.broadcast %slice3A_207 : vector<1x1xf32> to vector<400x1xf32>
    %add3A_209 = arith.addf %add3A_206, %add3A_208 : vector<400x1xf32>
    %neg3A = arith.constant 0.000000e+00 : f32
    %neg3A_210 = vector.broadcast %neg3A : f32 to vector<400x1xf32>
    %neg3A_211 = arith.subf %neg3A_210, %add3A_209 : vector<400x1xf32>
    %exp3A_212 = math.exp %neg3A_211 : vector<400x1xf32>
    %add3A_213 = arith.constant 1.000000e+00 : f32
    %add3A_214 = vector.broadcast %add3A_213 : f32 to vector<400x1xf32>
    %add3A_215 = arith.addf %add3A_214, %exp3A_212 : vector<400x1xf32>
    %div3A_216 = arith.constant 1.000000e+00 : f32
    %div3A_217 = vector.broadcast %div3A_216 : f32 to vector<400x1xf32>
    %div3A_218 = arith.divf %div3A_217, %add3A_215 : vector<400x1xf32>
    %mul3A_219 = vector.broadcast %div3A_218 : vector<400x1xf32> to vector<400x128xf32>
    %mul3A_220 = arith.mulf %mul3A_219, %add3A_190 : vector<400x128xf32>
    %sub3A_221 = arith.constant 1.000000e+00 : f32
    %sub3A_222 = vector.broadcast %sub3A_221 : f32 to vector<400x1xf32>
    %sub3A_223 = arith.subf %sub3A_222, %div3A_218 : vector<400x1xf32>
    %mul3A_224 = vector.broadcast %sub3A_223 : vector<400x1xf32> to vector<400x128xf32>
    %mul3A_225 = arith.mulf %mul3A_224, %get3A_193 : vector<400x128xf32>
    %add3A_226 = arith.addf %mul3A_220, %mul3A_225 : vector<400x128xf32>
    %reduce_sum3A_227 = arith.constant dense<0.000000e+00> : vector<400xf32>
    %reduce_sum3A_228 = vector.multi_reduction <add>, %add3A_226, %reduce_sum3A_227 [1] : vector<400x128xf32> to vector<400xf32>
    %broadcast_in_dim3A_229 = vector.shape_cast %reduce_sum3A_228 : vector<400xf32> to vector<400x1xf32>
    %div3A_230 = arith.constant 1.280000e+02 : f32
    %div3A_231 = vector.broadcast %div3A_230 : f32 to vector<400x1xf32>
    %div3A_232 = arith.divf %broadcast_in_dim3A_229, %div3A_231 : vector<400x1xf32>
    %sub3A_233 = vector.broadcast %div3A_232 : vector<400x1xf32> to vector<400x128xf32>
    %sub3A_234 = arith.subf %add3A_226, %sub3A_233 : vector<400x128xf32>
    %integer_pow3A = arith.mulf %sub3A_234, %sub3A_234 : vector<400x128xf32>
    %reduce_sum3A_235 = arith.constant dense<0.000000e+00> : vector<400xf32>
    %reduce_sum3A_236 = vector.multi_reduction <add>, %integer_pow3A, %reduce_sum3A_235 [1] : vector<400x128xf32> to vector<400xf32>
    %broadcast_in_dim3A_237 = vector.shape_cast %reduce_sum3A_236 : vector<400xf32> to vector<400x1xf32>
    %div3A_238 = arith.constant 1.280000e+02 : f32
    %div3A_239 = vector.broadcast %div3A_238 : f32 to vector<400x1xf32>
    %div3A_240 = arith.divf %broadcast_in_dim3A_237, %div3A_239 : vector<400x1xf32>
    %sub3A_241 = vector.broadcast %div3A_232 : vector<400x1xf32> to vector<400x128xf32>
    %sub3A_242 = arith.subf %add3A_226, %sub3A_241 : vector<400x128xf32>
    %add3A_243 = arith.constant 9.99999974E-6 : f32
    %add3A_244 = vector.broadcast %add3A_243 : f32 to vector<400x1xf32>
    %add3A_245 = arith.addf %div3A_240, %add3A_244 : vector<400x1xf32>
    %rsqrt3A = math.rsqrt %add3A_245 : vector<400x1xf32>
    %mul3A_246 = vector.broadcast %rsqrt3A : vector<400x1xf32> to vector<400x128xf32>
    %mul3A_247 = arith.mulf %sub3A_242, %mul3A_246 : vector<400x128xf32>
    %slice3A_248 = vector.extract_strided_slice %get3A_129 {offsets = [4, 0], sizes = [1, 128], strides = [1, 1]} : vector<8x128xf32> to vector<1x128xf32>
    %mul3A_249 = vector.broadcast %slice3A_248 : vector<1x128xf32> to vector<400x128xf32>
    %mul3A_250 = arith.mulf %mul3A_247, %mul3A_249 : vector<400x128xf32>
    %slice3A_251 = vector.extract_strided_slice %get3A_129 {offsets = [5, 0], sizes = [1, 128], strides = [1, 1]} : vector<8x128xf32> to vector<1x128xf32>
    %add3A_252 = vector.broadcast %slice3A_251 : vector<1x128xf32> to vector<400x128xf32>
    %add3A_253 = arith.addf %mul3A_250, %add3A_252 : vector<400x128xf32>
    %swap3A = arith.constant 0 : index
    %swap3A_254 = arith.constant 0 : index
    %swap3A_255 = vector.load %arg8[%swap3A, %swap3A_254] : memref<400x128xf32, #tpu.memory_space<vmem>>, vector<400x128xf32>
    tpu.vector_store %arg8[%swap3A, %swap3A_254], %add3A_253 {strides = array<i32>} : memref<400x128xf32, #tpu.memory_space<vmem>>, vector<400x128xf32>,
    return
  }
  func.func @transform_0(%arg0: i32) -> (i32, i32) {
    %c0_i32 = arith.constant 0 : i32
    %c0_i32_0 = arith.constant 0 : i32
    return %arg0, %c0_i32 : i32, i32
  }
  func.func @transform_1(%arg0: i32) -> (i32, i32, i32) {
    %add3A = arith.constant 0 : i32
    %add3A_0 = arith.addi %arg0, %add3A : i32
    %c0_i32 = arith.constant 0 : i32
    %c0_i32_1 = arith.constant 0 : i32
    %c0_i32_2 = arith.constant 0 : i32
    return %add3A_0, %c0_i32, %c0_i32_1 : i32, i32, i32
  }
  func.func @transform_2(%arg0: i32) -> (i32, i32) {
    %add3A = arith.constant 0 : i32
    %add3A_0 = arith.addi %arg0, %add3A : i32
    %c0_i32 = arith.constant 0 : i32
    %c0_i32_1 = arith.constant 0 : i32
    return %add3A_0, %c0_i32 : i32, i32
  }
  func.func @transform_3(%arg0: i32) -> (i32, i32) {
    %add3A = arith.constant 0 : i32
    %add3A_0 = arith.addi %arg0, %add3A : i32
    %c0_i32 = arith.constant 0 : i32
    %c0_i32_1 = arith.constant 0 : i32
    return %add3A_0, %c0_i32 : i32, i32
  }
  func.func @transform_4(%arg0: i32) -> (i32, i32) {
    %c0_i32 = arith.constant 0 : i32
    %c0_i32_0 = arith.constant 0 : i32
    %c0_i32_1 = arith.constant 0 : i32
    return %c0_i32, %c0_i32_0 : i32, i32
  }
  func.func @transform_5(%arg0: i32) -> (i32, i32) {
    %c0_i32 = arith.constant 0 : i32
    %c0_i32_0 = arith.constant 0 : i32
    %c0_i32_1 = arith.constant 0 : i32
    return %c0_i32, %c0_i32_0 : i32, i32
  }
  func.func @transform_6(%arg0: i32) -> (i32, i32) {
    %c0_i32 = arith.constant 0 : i32
    %c0_i32_0 = arith.constant 0 : i32
    %c0_i32_1 = arith.constant 0 : i32
    return %c0_i32, %c0_i32_0 : i32, i32
  }
  func.func @transform_7(%arg0: i32) -> (i32, i32) {
    %c0_i32 = arith.constant 0 : i32
    %c0_i32_0 = arith.constant 0 : i32
    return %arg0, %c0_i32 : i32, i32
  }
}

</mosaic_0001>

<sc_bundles>
// kernel: kernel.10.cloned.1.call-start
scs
__scs_entry_jumppad:
0x0: {  	(pc) =	sbr.rel $0x88, $3  }
0x1: {  	(tag) =	ssettag $0x0;
	lr =	simm.s32 $0x1  }
0x2: {  	[smem:$0x3F90] =	sst lr;
	_ =	strace $0xD0000000  }
0x3: {  	_ = 	snop  }
0x4: {  	_ = 	snop  }
0x5: {  	_ = 	snop  }
0x6: {  	_ = 	snop  }
0x7: {  	_ = 	snop  }
__scs_overlays_trampoline_lowered:
0x8: {  	[smem:$0x3F9F] =	sst s0  }
0x9: {  	[smem:$0x3FA0] =	sst s1  }
0xa: {  	[smem:$0x3FA1] =	sst s2  }
0xb: {  	[smem:$0x3FA2] =	sst s3  }
0xc: {  	[smem:$0x3FA3] =	sst s4  }
0xd: {  	[smem:$0x3FA4] =	sst s5  }
0xe: {  	[smem:$0x3FA5] =	sst s6  }
0xf: {  	[smem:$0x3FA6] =	sst s7  }
0x10: {  	[smem:$0x3FA7] =	sst s8  }
0x11: {  	[smem:$0x3FA8] =	sst s9;
	s0 =	simm.s32 @!p0 $0x0  }
0x12: {  	s1 =	sld [smem:$0x3F8E];
	s0 =	simm.s32 @p0 $0x1  }
0x13: {  	[smem:$0x3FA9] =	sst s0;
	s0 =	simm.s32 @!p1 $0x0  }
0x14: {  	s2 =	sld [smem:$0x3F8D];
	s0 =	simm.s32 @p1 $0x1  }
0x15: {  	[smem:$0x3FAA] =	sst s0;
	s0 =	simm.s32 @!p2 $0x0  }
0x16: {  	s3 =	sld [smem:$0x3FDB];
	s0 =	simm.s32 @p2 $0x1  }
0x17: {  	s4 =	simm.s32 $0x1BF5;
	[smem:$0x3FAC] =	sst s0  }
0x18: {  	s0 =	sld [smem:$0x3F8F];
	_ =	swait.ge [sflag:s4], $0x0  }
0x19: {  	s7 =	sld [smem:$0x3F90]  }
0x1a: {  	s8 =	sadd.s32 $0xFFFFE003, lr  }
0x1b: {  	s9 =	sadd.s32 $0xFFFFFEF7, lr;
	s5 =	simm.s32 $0xFFFFFFFF;
	p2 =	slt.u32 s8, $0xFFFFF086  }
0x1c: {  	p1 =	slt.u32 s9, $0xF7A;
	s5 =	simm.s32 @!p2 $0x0  }
0x1d: {  	s5 =	simm.s32 @p1 $0x1;
	p0 =	seq.s32 s7, s2  }
0x1e: {  	s7 =	smul.u32 @!p0 $0xF7A, s2;
	p2 =	seq.s32 @!p0 s5, $0x0  }
0x1f: {  	s9 =	smul.u32 $0xF7A, s1;
	s8 =	simm.s32 @!p0 $0x1BF5;
	p2 =	por !p2, p0  }
0x20: {  	[sflag:s8] =	ssyncset.s32 @!p0 $0xFFFFF086;
	s6 =	sadd.s32 @!p0 s3, s7;
	s7 =	simm.s32 @!p0 $0x108  }
0x21: {  	s3 =	sadd.s32 s3, s9;
	s6 =	sadd.s32 @!p0 $0x88, s6;
	s7 =	simm.s32 @p2 $0x1082  }
0x22: {  	[simem:s7], [sflag:s8] =	dma.local @!p0 [hbm:s6], $0xF7A  }
0x23: {  	s9 =	sor.u32 $0xD0000000, s2;
	s6 =	simm.s32 $0x108;
	_ =	swait.ge @!p0 [sflag:s8], $0x0  }
0x24: {  	s3 =	sadd.s32 $0x88, s3;
	s6 =	simm.s32 @!p1 $0x1082;
	[sflag:s4] =	ssyncset.s32 $0xFFFFF086  }
0x25: {  	[simem:s6], [sflag:s4] =	dma.local [hbm:s3], $0xF7A  }
0x26: {  	[smem:$0x3F90] =	sst s1;
	(tag) =	ssettag s2;
	_ =	strace s9  }
0x27: {  	s1 =	sld [smem:$0x3FA0]  }
0x28: {  	s2 =	sld [smem:$0x3FA1]  }
0x29: {  	s4 =	sld [smem:$0x3FA3]  }
0x2a: {  	p0 =	seq.s32 s5, $0x0;
	s5 =	sld [smem:$0x3FA4]  }
0x2b: {  	s6 =	sld [smem:$0x3FA5]  }
0x2c: {  	s7 =	sld [smem:$0x3FA6]  }
0x2d: {  	s3 =	simm.s32 $0x108;
	s8 =	sld [smem:$0x3FA7]  }
0x2e: {  	s3 =	simm.s32 @!p0 $0x1082;
	s9 =	sld [smem:$0x3FA8]  }
0x2f: {  	lr =	sadd.s32 s0, s3;
	s0 =	sld [smem:$0x3F9F]  }
0x30: {  	s3 =	sld [smem:$0x3FA2]  }
0x31: {  	[smem:$0x3FAB] =	sst s10  }
0x32: {  	s10 =	sld [smem:$0x3FA9];
	_ =	sdelay $0x3  }
0x33: {  	p0 =	seq.s32 s10, $0x1;
	s10 =	sld [smem:$0x3FAB];
	_ =	sdelay $0x3  }
0x34: {  	[smem:$0x3FAB] =	sst s10  }
0x35: {  	s10 =	sld [smem:$0x3FAA];
	_ =	sdelay $0x3  }
0x36: {  	p1 =	seq.s32 s10, $0x1;
	s10 =	sld [smem:$0x3FAB];
	_ =	sdelay $0x3  }
0x37: {  	[smem:$0x3FAB] =	sst s10  }
0x38: {  	s10 =	sld [smem:$0x3FAC]  }
0x39: {  	_ = 	snop;
	(pc) =	sbr.ind lr, $3  }
0x3a: {  	_ = 	snop  }
0x3b: {  	_ = 	snop  }
0x3c: {  	p2 =	seq.s32 s10, $0x1;
	s10 =	sld [smem:$0x3FAB]  }
0x3d: {  	_ =	shalt  }
0x3e: {  	_ =	shalt  }
0x3f: {  	_ =	shalt  }
0x40: {  	_ =	shalt  }
0x41: {  	_ =	shalt  }
0x42: {  	_ =	shalt  }
0x43: {  	_ =	shalt  }
0x44: {  	_ =	shalt  }
0x45: {  	_ =	shalt  }
0x46: {  	_ =	shalt  }
0x47: {  	_ =	shalt  }
0x48: {  	_ =	shalt  }
0x49: {  	_ =	shalt  }
0x4a: {  	_ =	shalt  }
0x4b: {  	_ =	shalt  }
0x4c: {  	_ =	shalt  }
0x4d: {  	_ =	shalt  }
0x4e: {  	_ =	shalt  }
0x4f: {  	_ =	shalt  }
0x50: {  	_ =	shalt  }
0x51: {  	_ =	shalt  }
0x52: {  	_ =	shalt  }
0x53: {  	_ =	shalt  }
0x54: {  	_ =	shalt  }
0x55: {  	_ =	shalt  }
0x56: {  	_ =	shalt  }
0x57: {  	_ =	shalt  }
0x58: {  	_ =	shalt  }
0x59: {  	_ =	shalt  }
0x5a: {  	_ =	shalt  }
0x5b: {  	_ =	shalt  }
0x5c: {  	_ =	shalt  }
0x5d: {  	_ =	shalt  }
0x5e: {  	_ =	shalt  }
0x5f: {  	_ =	shalt  }
0x60: {  	_ =	shalt  }
0x61: {  	_ =	shalt  }
0x62: {  	_ =	shalt  }
0x63: {  	_ =	shalt  }
0x64: {  	_ =	shalt  }
0x65: {  	_ =	shalt  }
0x66: {  	_ =	shalt  }
0x67: {  	_ =	shalt  }
0x68: {  	_ =	shalt  }
0x69: {  	_ =	shalt  }
0x6a: {  	_ =	shalt  }
0x6b: {  	_ =	shalt  }
0x6c: {  	_ =	shalt  }
0x6d: {  	_ =	shalt  }
0x6e: {  	_ =	shalt  }
0x6f: {  	_ =	shalt  }
0x70: {  	_ =	shalt  }
0x71: {  	_ =	shalt  }
0x72: {  	_ =	shalt  }
0x73: {  	_ =	shalt  }
0x74: {  	_ =	shalt  }
0x75: {  	_ =	shalt  }
0x76: {  	_ =	shalt  }
0x77: {  	_ =	shalt  }
0x78: {  	_ =	shalt  }
0x79: {  	_ =	shalt  }
0x7a: {  	_ =	shalt  }
0x7b: {  	_ =	shalt  }
0x7c: {  	_ =	shalt  }
0x7d: {  	_ =	shalt  }
0x7e: {  	_ =	shalt  }
0x7f: {  	_ =	shalt  }
0x80: {  	_ =	shalt  }
0x81: {  	_ =	shalt  }
0x82: {  	_ =	shalt  }
0x83: {  	_ =	shalt  }
0x84: {  	_ =	shalt  }
0x85: {  	_ =	shalt  }
0x86: {  	_ =	shalt  }
0x87: {  	_ =	shalt  }
.Lfunc_end0:
.L_simem_size_0:
called_computation.1_lowered:
.L_overlay_start_0:
0x88: {  	s2 =	sld [smem:$0x3FD9]  }
0x89: {  	s3 =	sld [smem:$0x3FFE];
	_ =	sdelay $0x1  }
0x8a: {  	s1 =	srdreg.scid  }
0x8b: {  	s0 =	sand.u32 $0x1, s1  }
0x8c: {  	s17 =	sshll.u32 s0, $0xA;
	s2 =	sadd.s32 s3, s2  }
0x8d: {  	s2 =	sadd.s32 s2, s17  }
0x8e: {  	[smem:$0x3FB7] =	sst s2  }
0x8f: {  	_ = 	snop  }
0x90: {  	s2 =	sld [smem:$0x3FD0];
	(tm) =	ssettm $0x1  }
0x91: {  	s18 =	sld [smem:$0x3FFB];
	_ =	sdelay $0x3  }
0x92: {  	_ =	strace s18  }
0x93: {  	s3 =	sld [smem:$0x3FFC];
	_ =	sdelay $0x3  }
0x94: {  	_ =	strace s3  }
0x95: {  	s3 =	sld [smem:$0x3FFD];
	_ =	sdelay $0x3  }
0x96: {  	_ =	strace s3  }
0x97: {  	_ =	strace $0x8FFFFFFF  }
0x98: {  	s19 =	sld [smem:$0x3FDB];
	_ =	sdelay $0x1  }
0x99: {  	s4 =	simm.s32 $_scs_section_size  }
0x9a: {  	s5 =	simm.s32 $_size__tile_overlayer_lowered;
	s6 =	simm.s32 $_tile_overlayer_lowered  }
0x9b: {  	s22 =	simm.s32 $0x1BFF;
	s21 =	sshll.u32 s6, $0x1;
	s3 =	sadd.s32 s4, s19  }
0x9c: {  	s7 =	simm.s32 $0x0;
	s20 =	sshll.u32 s5, $0x1;
	s5 =	sadd.s32 s21, s3  }
0x9d: {  	[timem:s7], [sflag:s22] =	dma.local [hbm:s5], s20  }
0x9e: {  	_ =	swait.ge [sflag:s22], s20  }
0x9f: {  	s4 =	ssub.s32 $0x0, s20;
	[sflag:s22] =	ssyncset.done $0x0  }
0xa0: {  	[sflag:s22] =	ssyncadd.s32 s4;
	_ =	sdelay $0x1  }
0xa1: {  	s23 =	simm.s32 $0x1B8B  }
0xa2: {  	_ =	swait.ge [sflag:s23], $0x1  }
0xa3: {  	[sflag:s23] =	ssyncset.done $0x0  }
0xa4: {  	s25 =	simm.s32 $0x1B8E;
	s24 =	sld [smem:$0x3FFE];
	[sflag:s23] =	ssyncadd.s32 $0xFFFFFFFF  }
0xa5: {  	s26 =	simm.s32 $execute0_lowered;
	[smem:$0x3FD2] =	sst s25  }
0xa6: {  	s5 =	sshll.u32 s26, $0x1;
	_ =	strace $0x80000046;
	[dreg:$0x1] =	wrdreg $0xFFFFFFFF  }
0xa7: {  	s28 =	simm.s32 $_size_execute0_lowered;
	s3 =	sadd.s32 s3, s5;
	[dreg:$0x0] =	wrdreg $0x0  }
0xa8: {  	s5 =	sshll.u32 s28, $0x1;
	[dreg:$0x2] =	wrdreg s3  }
0xa9: {  	[dreg:$0x3] =	wrdreg s5  }
0xaa: {  	[dreg:$0x4] =	wrdreg $0xC0  }
0xab: {  	_ =	task [dreg:s7], $0x5FFFF  }
0xac: {  	[dreg:$0x1] =	wrdreg $0xFFFFFFFF  }
0xad: {  	[dreg:$0x0] =	wrdreg $0x60  }
0xae: {  	[dreg:$0x2] =	wrdreg s2  }
0xaf: {  	[dreg:$0x3] =	wrdreg s24  }
0xb0: {  	[dreg:$0x4] =	wrdreg $0xA  }
0xb1: {  	_ =	task.clear_ibuf [dreg:s7], $0x5FFFF;
	_ =	strace $0x90000046  }
0xb2: {  	s29 =	simm.s32 $0xA;
	_ =	strace $0x80000048  }
0xb3: {  	_ =	swait.ge [sflag:s29], $0x1  }
0xb4: {  	[sflag:s29] =	ssyncadd.s32 $0xFFFFFFFF  }
0xb5: {  	_ =	strace $0x90000048  }
0xb6: {  	_ =	sfence  }
0xb7: {  	s30 =	sld [smem:$0x0];
	_ =	sdelay $0x2  }
0xb8: {  	s31 =	sshll.u32 s1, $0xD;
	s1 =	sshrl.u32 s1, $0x2  }
0xb9: {  	s3 =	sand.u32 $0x4000, s31;
	s1 =	sadd.s32 s1, s30  }
0xba: {  	s0 =	sor.u32 s3, s0;
	s1 =	sshll.u32 s1, $0x11  }
0xbb: {  	s0 =	sor.u32 s1, s0  }
0xbc: {  	s0 =	sadd.s32 $0x8F2B, s0  }
0xbd: {  	[sflag:s0] =	ssyncadd.remote.s32 $0x1  }
0xbe: {  	_ =	sfence.sel $0xFFFF  }
0xbf: {  	[dreg:$0x0] =	wrdreg $0xFFFFFFFF;
	(pc) =	sbr.abs _section_cstart, $3  }
0xc0: {  	[dreg:$0x1] =	wrdreg $0xFFFFFFFF  }
0xc1: {  	_ =	task.clear_ibuf [dreg:s7], $0x2FFFF;
	_ =	strace $0x9FFFFFFF  }
0xc2: {  	(tm) =	ssettm $0x7FFFFFFF  }
0xc3: {  	_ =	shalt  }
tec
execute0_lowered:
.L_overlay_start_1:
0x0: {  	(tag) =	ssettag $0x1  }
0x1: {  	s2 =	rddreg [dreg:$0x0]  }
0x2: {  	s1 =	srdreg.scid;
	s0 =	stileid.u32  }
0x3: {  	s4 =	rddreg [dreg:$0x1];
	s3 =	simm.s32 $0x0;
	s12 =	simm.s32 $0x1  }
0x4: {  	s13 =	simm.s32 $0x3;
	s14 =	simm.s32 $0x2;
	s15 =	simm.s32 $0x4  }
0x5: {  	s16 =	simm.s32 $0x0;
	s5 =	sand.u32 $0x1, s1;
	s6 =	sshll.u32 s0, $0x1  }
0x6: {  	s1 =	rddreg [dreg:$0x2];
	s10 =	smul.u32 $0xE100, s0;
	s6 =	sor.u32 s5, s6  }
0x7: {  	[smem:$0x7FF] =	sst s3;
	s9 =	sadd.s32 $0x9400, s4;
	s7 =	smul.u32 $0x300, s6  }
0x8: {  	_ =	strace $0x80000047;
	s8 =	ssub.s32 $0x2, s5;
	s6 =	smul.u32 $0x38400, s6  }
0x9: {  	s11 =	smul.u32 $0x7080, s5;
	s29 =	sshrl.u32 s8, $0x1;
	s31 =	sadd.s32 s10, s9  }
0xa: {  	s10 =	simm.s32 $0x1800;
	s7 =	sadd.s32 s7, s4;
	s6 =	sshrl.u32 s6, $0x3  }
0xb: {  	s8 =	ssub.s32 s8, s29;
	s4 =	sadd.s32 $0x3400, s7;
	s30 =	sadd.s32 s9, s6  }
0xc: {  	s6 =	smax.u32 s8, $0x1;
	s7 =	sadd.s32 s11, s31;
	s8 =	simm.s32 $0x5  }
0xd: {  	s9 =	simm.s32 $0x28;
	s11 =	simm.s32 $0x2C00;
	s5 =	sadd.s32 $0x6E00, s30  }
.LBB2_1:
0xe: {  	[tilespmem:s3], [sflag:$0x5] =	stream.linear.gather [hbm4b:s4+s3], $0x1680, $0x38;
	[tilespmem:$0x4000] =	vst v63  }
0xf: {  	_ =	swait.ge [sflag:s8], $0x1680  }
0x10: {  	[sflag:s8] =	ssyncset.done $0x0  }
0x11: {  	[sflag:s8] =	ssyncadd.s32 $0xFFFFE980  }
0x12: {  	[tilespmem:s10], [sflag:$0x1] =	stream.indirect.gather [hbm4b:s2+s9], $0x80, s3, s9, $0xb8;
	[tilespmem:$0x4000] =	vst v63  }
0x13: {  	s17 =	simm.s32 $0x80  }
0x14: {  	[tilespmem:s11], [sflag:$0x2] =	stream.indirect.gather [hbm4b:s2+s9], $0x80, s17, s9, $0xb8;
	[tilespmem:$0x4000] =	vst v63  }
0x15: {  	_ =	swait.ge [sflag:s12], $0x1400  }
0x16: {  	[sflag:s12] =	ssyncset.done $0x0  }
0x17: {  	s31 =	sadd.s32 $0x0, s7;
	[sflag:s12] =	ssyncadd.s32 $0xFFFFEC00  }
0x18: {  	[hbm4b:s31+s3] =	stream.linear.scatter [tilespmem:s10], [sflag:$0x3], $0x1400, $0x38;
	[tilespmem:$0x4000] =	vst v63  }
0x19: {  	_ =	swait.ge [sflag:s13], $0x1400  }
0x1a: {  	[sflag:s13] =	ssyncset.done $0x0  }
0x1b: {  	s18 =	simm.s32 $0x100;
	[sflag:s13] =	ssyncadd.s32 $0xFFFFEC00  }
0x1c: {  	[tilespmem:s10], [sflag:$0x1] =	stream.indirect.gather [hbm4b:s2+s9], $0x80, s18, s9, $0xb8;
	[tilespmem:$0x4000] =	vst v63  }
0x1d: {  	_ =	swait.ge [sflag:s14], $0x1400  }
0x1e: {  	[sflag:s14] =	ssyncset.done $0x0  }
0x1f: {  	s17 =	sadd.s32 $0x280, s31;
	[sflag:s14] =	ssyncadd.s32 $0xFFFFEC00  }
0x20: {  	[hbm4b:s17+s3] =	stream.linear.scatter [tilespmem:s11], [sflag:$0x4], $0x1400, $0x38;
	[tilespmem:$0x4000] =	vst v63  }
0x21: {  	s19 =	simm.s32 $0xA00;
	_ =	swait.ge [sflag:s15], $0x1400  }
0x22: {  	s18 =	simm.s32 $0x500;
	s17 =	simm.s32 $0x200;
	[sflag:s15] =	ssyncset.done $0x0  }
.LBB2_2:
0x23: {  	p0 =	sne.s32 s19, $0x6900;
	s20 =	sadd.s32 $0xFFFFFF80, s17;
	[sflag:s15] =	ssyncadd.s32 $0xFFFFEC00  }
0x24: {  	[tilespmem:s11], [sflag:$0x2] =	stream.indirect.gather [hbm4b:s2+s9], $0x80, s20, s9, $0xb8;
	[tilespmem:$0x4000] =	vst v63  }
0x25: {  	s20 =	smov.u32 s19;
	s19 =	sadd.s32 $0x500, s19;
	_ =	swait.ge [sflag:s12], $0x1400  }
0x26: {  	[sflag:s12] =	ssyncset.done $0x0  }
0x27: {  	s21 =	sadd.s32 s18, s7;
	s18 =	smov.u32 s20;
	[sflag:s12] =	ssyncadd.s32 $0xFFFFEC00  }
0x28: {  	[hbm4b:s21+s3] =	stream.linear.scatter [tilespmem:s10], [sflag:$0x3], $0x1400, $0x38;
	[tilespmem:$0x4000] =	vst v63  }
0x29: {  	_ =	swait.ge [sflag:s13], $0x1400  }
0x2a: {  	[sflag:s13] =	ssyncset.done $0x0  }
0x2b: {  	[sflag:s13] =	ssyncadd.s32 $0xFFFFEC00  }
0x2c: {  	[tilespmem:s10], [sflag:$0x1] =	stream.indirect.gather [hbm4b:s2+s9], $0x80, s17, s9, $0xb8;
	[tilespmem:$0x4000] =	vst v63  }
0x2d: {  	_ =	swait.ge [sflag:s14], $0x1400  }
.Ltmp0:
0x2e: {  	[sflag:s14] =	ssyncset.done $0x0;
	(pc) =	sbr.rel @p0 .LBB2_2-.Ltmp0, $4  }
0x2f: {  	s20 =	sadd.s32 $0x280, s21;
	[sflag:s14] =	ssyncadd.s32 $0xFFFFEC00  }
0x30: {  	[hbm4b:s20+s3] =	stream.linear.scatter [tilespmem:s11], [sflag:$0x4], $0x1400, $0x38;
	[tilespmem:$0x4000] =	vst v63  }
0x31: {  	_ =	swait.ge [sflag:s15], $0x1400  }
0x32: {  	s17 =	sadd.s32 $0x100, s17;
	[sflag:s15] =	ssyncset.done $0x0  }
0x33: {  	s19 =	sadd.s32 $0xFFFFFF80, s17;
	[sflag:s15] =	ssyncadd.s32 $0xFFFFEC00  }
0x34: {  	[tilespmem:s11], [sflag:$0x2] =	stream.indirect.gather [hbm4b:s2+s9], $0x80, s19, s9, $0xb8;
	[tilespmem:$0x4000] =	vst v63  }
0x35: {  	_ =	swait.ge [sflag:s12], $0x1400  }
0x36: {  	[sflag:s12] =	ssyncset.done $0x0  }
0x37: {  	s18 =	sadd.s32 s18, s7;
	[sflag:s12] =	ssyncadd.s32 $0xFFFFEC00  }
0x38: {  	[hbm4b:s18+s3] =	stream.linear.scatter [tilespmem:s10], [sflag:$0x3], $0x1400, $0x38;
	[tilespmem:$0x4000] =	vst v63  }
0x39: {  	_ =	swait.ge [sflag:s13], $0x1400  }
0x3a: {  	[sflag:s13] =	ssyncset.done $0x0  }
0x3b: {  	[sflag:s13] =	ssyncadd.s32 $0xFFFFEC00  }
0x3c: {  	[tilespmem:s10], [sflag:$0x1] =	stream.indirect.gather [hbm4b:s2+s9], $0x80, s17, s9, $0xb8;
	[tilespmem:$0x4000] =	vst v63  }
0x3d: {  	_ =	swait.ge [sflag:s14], $0x1400  }
0x3e: {  	[sflag:s14] =	ssyncset.done $0x0  }
0x3f: {  	s31 =	sadd.s32 $0x280, s18;
	[sflag:s14] =	ssyncadd.s32 $0xFFFFEC00  }
0x40: {  	[hbm4b:s31+s3] =	stream.linear.scatter [tilespmem:s11], [sflag:$0x4], $0x1400, $0x38;
	[tilespmem:$0x4000] =	vst v63  }
0x41: {  	_ =	swait.ge [sflag:s15], $0x1400  }
0x42: {  	[sflag:s15] =	ssyncset.done $0x0  }
0x43: {  	[sflag:s15] =	ssyncadd.s32 $0xFFFFEC00  }
0x44: {  	s16 =	sadd.s32 $0x1, s16;
	_ =	swait.ge [sflag:s12], $0x1400  }
0x45: {  	p0 =	sne.s32 s16, s6;
	[sflag:s12] =	ssyncset.done $0x0  }
.Ltmp1:
0x46: {  	[sflag:s12] =	ssyncadd.s32 $0xFFFFEC00;
	(pc) =	sbr.rel @p0 .LBB2_1-.Ltmp1, $4  }
0x47: {  	[hbm4b:s5+s3] =	stream.linear.scatter [tilespmem:s10], [sflag:$0x3], $0x1400, $0x38;
	[tilespmem:$0x4000] =	vst v63  }
0x48: {  	_ =	swait.ge [sflag:s13], $0x1400  }
0x49: {  	[sflag:s13] =	ssyncset.done $0x0  }
0x4a: {  	[sflag:s13] =	ssyncadd.s32 $0xFFFFEC00  }
0x4b: {  	_ =	sfence.sel $0x180000  }
0x4c: {  	[bflag:$0x0] =	sbarrier.arrive $0xFFFF  }
0x4d: {  	p0 =	sne.s32 s0, $0x0;
	_ =	strace $0x90000047  }
0x4e: {  	s0 =	sadd.s32 @!p0 $0x100000, s1;
	[bflag:$0x2] =	sbarrier.arrive $0xFFFF  }
0x4f: {  	[sflag:s0] =	ssyncadd.tile.s32 @!p0 $0x1;
	_ =	shalt  }
.Lfunc_end2:
_tile_overlayer_lowered:
.L_overlay_start_2:
0x50: {  	(tag) =	ssettag $0x2  }
0x51: {  	s0 =	rddreg [dreg:$0x0];
	s2 =	stileid.u32  }
0x52: {  	s1 =	rddreg [dreg:$0x1];
	p0 =	sne.s32 s2, $0x0  }
0x53: {  	s3 =	rddreg [dreg:$0x2];
	[bflag:$0x3] =	sbarrier.arrive $0xFFFF;
	s2 =	simm.s32 @!p0 $0x1C05  }
0x54: {  	[timem:s3], [sflag:s2] =	dma.local @!p0 [hbm:s0], s1  }
0x55: {  	s0 =	simm.s32 @!p0 $0x5  }
0x56: {  	_ =	swait.ge @!p0 [sflag:s0], s1  }
0x57: {  	s1 =	ssub.s32 @!p0 $0x0, s1;
	[sflag:s0] =	ssyncset.done @!p0 $0x0  }
0x58: {  	[sflag:s0] =	ssyncadd.s32 @!p0 s1  }
0x59: {  	[bflag:$0x3] =	sbarrier.arrive $0xFFFF  }
0x5a: {  	_ =	shalt  }

// kernel: kernel.7.cloned.1.call-start
scs
__scs_entry_jumppad:
0x0: {  	(pc) =	sbr.rel $0x88, $3  }
0x1: {  	(tag) =	ssettag $0x0;
	lr =	simm.s32 $0x1  }
0x2: {  	[smem:$0x3F90] =	sst lr;
	_ =	strace $0xD0000000  }
0x3: {  	_ = 	snop  }
0x4: {  	_ = 	snop  }
0x5: {  	_ = 	snop  }
0x6: {  	_ = 	snop  }
0x7: {  	_ = 	snop  }
__scs_overlays_trampoline_lowered:
0x8: {  	[smem:$0x3F9F] =	sst s0  }
0x9: {  	[smem:$0x3FA0] =	sst s1  }
0xa: {  	[smem:$0x3FA1] =	sst s2  }
0xb: {  	[smem:$0x3FA2] =	sst s3  }
0xc: {  	[smem:$0x3FA3] =	sst s4  }
0xd: {  	[smem:$0x3FA4] =	sst s5  }
0xe: {  	[smem:$0x3FA5] =	sst s6  }
0xf: {  	[smem:$0x3FA6] =	sst s7  }
0x10: {  	[smem:$0x3FA7] =	sst s8  }
0x11: {  	[smem:$0x3FA8] =	sst s9;
	s0 =	simm.s32 @!p0 $0x0  }
0x12: {  	s1 =	sld [smem:$0x3F8E];
	s0 =	simm.s32 @p0 $0x1  }
0x13: {  	[smem:$0x3FA9] =	sst s0;
	s0 =	simm.s32 @!p1 $0x0  }
0x14: {  	s2 =	sld [smem:$0x3F8D];
	s0 =	simm.s32 @p1 $0x1  }
0x15: {  	[smem:$0x3FAA] =	sst s0;
	s0 =	simm.s32 @!p2 $0x0  }
0x16: {  	s3 =	sld [smem:$0x3FDB];
	s0 =	simm.s32 @p2 $0x1  }
0x17: {  	s4 =	simm.s32 $0x1BF5;
	[smem:$0x3FAC] =	sst s0  }
0x18: {  	s0 =	sld [smem:$0x3F8F];
	_ =	swait.ge [sflag:s4], $0x0  }
0x19: {  	s7 =	sld [smem:$0x3F90]  }
0x1a: {  	s8 =	sadd.s32 $0xFFFFE003, lr  }
0x1b: {  	s9 =	sadd.s32 $0xFFFFFEF7, lr;
	s5 =	simm.s32 $0xFFFFFFFF;
	p2 =	slt.u32 s8, $0xFFFFF086  }
0x1c: {  	p1 =	slt.u32 s9, $0xF7A;
	s5 =	simm.s32 @!p2 $0x0  }
0x1d: {  	s5 =	simm.s32 @p1 $0x1;
	p0 =	seq.s32 s7, s2  }
0x1e: {  	s7 =	smul.u32 @!p0 $0xF7A, s2;
	p2 =	seq.s32 @!p0 s5, $0x0  }
0x1f: {  	s9 =	smul.u32 $0xF7A, s1;
	s8 =	simm.s32 @!p0 $0x1BF5;
	p2 =	por !p2, p0  }
0x20: {  	[sflag:s8] =	ssyncset.s32 @!p0 $0xFFFFF086;
	s6 =	sadd.s32 @!p0 s3, s7;
	s7 =	simm.s32 @!p0 $0x108  }
0x21: {  	s3 =	sadd.s32 s3, s9;
	s6 =	sadd.s32 @!p0 $0x88, s6;
	s7 =	simm.s32 @p2 $0x1082  }
0x22: {  	[simem:s7], [sflag:s8] =	dma.local @!p0 [hbm:s6], $0xF7A  }
0x23: {  	s9 =	sor.u32 $0xD0000000, s2;
	s6 =	simm.s32 $0x108;
	_ =	swait.ge @!p0 [sflag:s8], $0x0  }
0x24: {  	s3 =	sadd.s32 $0x88, s3;
	s6 =	simm.s32 @!p1 $0x1082;
	[sflag:s4] =	ssyncset.s32 $0xFFFFF086  }
0x25: {  	[simem:s6], [sflag:s4] =	dma.local [hbm:s3], $0xF7A  }
0x26: {  	[smem:$0x3F90] =	sst s1;
	(tag) =	ssettag s2;
	_ =	strace s9  }
0x27: {  	s1 =	sld [smem:$0x3FA0]  }
0x28: {  	s2 =	sld [smem:$0x3FA1]  }
0x29: {  	s4 =	sld [smem:$0x3FA3]  }
0x2a: {  	p0 =	seq.s32 s5, $0x0;
	s5 =	sld [smem:$0x3FA4]  }
0x2b: {  	s6 =	sld [smem:$0x3FA5]  }
0x2c: {  	s7 =	sld [smem:$0x3FA6]  }
0x2d: {  	s3 =	simm.s32 $0x108;
	s8 =	sld [smem:$0x3FA7]  }
0x2e: {  	s3 =	simm.s32 @!p0 $0x1082;
	s9 =	sld [smem:$0x3FA8]  }
0x2f: {  	lr =	sadd.s32 s0, s3;
	s0 =	sld [smem:$0x3F9F]  }
0x30: {  	s3 =	sld [smem:$0x3FA2]  }
0x31: {  	[smem:$0x3FAB] =	sst s10  }
0x32: {  	s10 =	sld [smem:$0x3FA9];
	_ =	sdelay $0x3  }
0x33: {  	p0 =	seq.s32 s10, $0x1;
	s10 =	sld [smem:$0x3FAB];
	_ =	sdelay $0x3  }
0x34: {  	[smem:$0x3FAB] =	sst s10  }
0x35: {  	s10 =	sld [smem:$0x3FAA];
	_ =	sdelay $0x3  }
0x36: {  	p1 =	seq.s32 s10, $0x1;
	s10 =	sld [smem:$0x3FAB];
	_ =	sdelay $0x3  }
0x37: {  	[smem:$0x3FAB] =	sst s10  }
0x38: {  	s10 =	sld [smem:$0x3FAC]  }
0x39: {  	_ = 	snop;
	(pc) =	sbr.ind lr, $3  }
0x3a: {  	_ = 	snop  }
0x3b: {  	_ = 	snop  }
0x3c: {  	p2 =	seq.s32 s10, $0x1;
	s10 =	sld [smem:$0x3FAB]  }
0x3d: {  	_ =	shalt  }
0x3e: {  	_ =	shalt  }
0x3f: {  	_ =	shalt  }
0x40: {  	_ =	shalt  }
0x41: {  	_ =	shalt  }
0x42: {  	_ =	shalt  }
0x43: {  	_ =	shalt  }
0x44: {  	_ =	shalt  }
0x45: {  	_ =	shalt  }
0x46: {  	_ =	shalt  }
0x47: {  	_ =	shalt  }
0x48: {  	_ =	shalt  }
0x49: {  	_ =	shalt  }
0x4a: {  	_ =	shalt  }
0x4b: {  	_ =	shalt  }
0x4c: {  	_ =	shalt  }
0x4d: {  	_ =	shalt  }
0x4e: {  	_ =	shalt  }
0x4f: {  	_ =	shalt  }
0x50: {  	_ =	shalt  }
0x51: {  	_ =	shalt  }
0x52: {  	_ =	shalt  }
0x53: {  	_ =	shalt  }
0x54: {  	_ =	shalt  }
0x55: {  	_ =	shalt  }
0x56: {  	_ =	shalt  }
0x57: {  	_ =	shalt  }
0x58: {  	_ =	shalt  }
0x59: {  	_ =	shalt  }
0x5a: {  	_ =	shalt  }
0x5b: {  	_ =	shalt  }
0x5c: {  	_ =	shalt  }
0x5d: {  	_ =	shalt  }
0x5e: {  	_ =	shalt  }
0x5f: {  	_ =	shalt  }
0x60: {  	_ =	shalt  }
0x61: {  	_ =	shalt  }
0x62: {  	_ =	shalt  }
0x63: {  	_ =	shalt  }
0x64: {  	_ =	shalt  }
0x65: {  	_ =	shalt  }
0x66: {  	_ =	shalt  }
0x67: {  	_ =	shalt  }
0x68: {  	_ =	shalt  }
0x69: {  	_ =	shalt  }
0x6a: {  	_ =	shalt  }
0x6b: {  	_ =	shalt  }
0x6c: {  	_ =	shalt  }
0x6d: {  	_ =	shalt  }
0x6e: {  	_ =	shalt  }
0x6f: {  	_ =	shalt  }
0x70: {  	_ =	shalt  }
0x71: {  	_ =	shalt  }
0x72: {  	_ =	shalt  }
0x73: {  	_ =	shalt  }
0x74: {  	_ =	shalt  }
0x75: {  	_ =	shalt  }
0x76: {  	_ =	shalt  }
0x77: {  	_ =	shalt  }
0x78: {  	_ =	shalt  }
0x79: {  	_ =	shalt  }
0x7a: {  	_ =	shalt  }
0x7b: {  	_ =	shalt  }
0x7c: {  	_ =	shalt  }
0x7d: {  	_ =	shalt  }
0x7e: {  	_ =	shalt  }
0x7f: {  	_ =	shalt  }
0x80: {  	_ =	shalt  }
0x81: {  	_ =	shalt  }
0x82: {  	_ =	shalt  }
0x83: {  	_ =	shalt  }
0x84: {  	_ =	shalt  }
0x85: {  	_ =	shalt  }
0x86: {  	_ =	shalt  }
0x87: {  	_ =	shalt  }
.Lfunc_end0:
.L_simem_size_0:
called_computation_lowered:
.L_overlay_start_0:
0x88: {  	s2 =	sld [smem:$0x3FD9]  }
0x89: {  	s3 =	sld [smem:$0x3FFE];
	_ =	sdelay $0x1  }
0x8a: {  	s1 =	srdreg.scid  }
0x8b: {  	s0 =	sand.u32 $0x1, s1  }
0x8c: {  	s17 =	sshll.u32 s0, $0xA;
	s2 =	sadd.s32 s3, s2  }
0x8d: {  	s2 =	sadd.s32 s2, s17  }
0x8e: {  	[smem:$0x3FB7] =	sst s2  }
0x8f: {  	_ = 	snop  }
0x90: {  	s18 =	sld [smem:$0x3FD0];
	(tm) =	ssettm $0x1  }
0x91: {  	s19 =	sld [smem:$0x3FFB];
	_ =	sdelay $0x3  }
0x92: {  	_ =	strace s19  }
0x93: {  	s2 =	sld [smem:$0x3FFC];
	_ =	sdelay $0x3  }
0x94: {  	_ =	strace s2  }
0x95: {  	s2 =	sld [smem:$0x3FFD];
	_ =	sdelay $0x3  }
0x96: {  	_ =	strace s2  }
0x97: {  	_ =	strace $0x8FFFFFFF  }
0x98: {  	s20 =	sld [smem:$0x3FDB];
	_ =	sdelay $0x1  }
0x99: {  	s4 =	simm.s32 $_scs_section_size  }
0x9a: {  	s5 =	simm.s32 $_size__tile_overlayer_lowered;
	s6 =	simm.s32 $_tile_overlayer_lowered  }
0x9b: {  	s7 =	simm.s32 $0x1BFF;
	s21 =	sshll.u32 s6, $0x1;
	s4 =	sadd.s32 s4, s20  }
0x9c: {  	s22 =	simm.s32 $0x0;
	s5 =	sshll.u32 s5, $0x1;
	s6 =	sadd.s32 s21, s4  }
0x9d: {  	[timem:s22], [sflag:s7] =	dma.local [hbm:s6], s5  }
0x9e: {  	_ =	swait.ge [sflag:s7], s5  }
0x9f: {  	s5 =	ssub.s32 $0x0, s5;
	[sflag:s7] =	ssyncset.done $0x0  }
0xa0: {  	[sflag:s7] =	ssyncadd.s32 s5;
	_ =	sdelay $0x1  }
0xa1: {  	s23 =	simm.s32 $0x1B8B  }
0xa2: {  	_ =	swait.ge [sflag:s23], $0x1  }
0xa3: {  	[sflag:s23] =	ssyncset.done $0x0  }
0xa4: {  	[sflag:s23] =	ssyncadd.s32 $0xFFFFFFFF  }
0xa5: {  	s5 =	sld [smem:$0x0]  }
0xa6: {  	s6 =	sand.u32 $0xFFFFFFFE, s1  }
0xa7: {  	p0 =	sne.s32 s1, s6  }
0xa8: {  	s6 =	sshll.u32 @p0 s6, $0xE  }
0xa9: {  	s6 =	sadd.s32 @p0 $0x11B8D, s6;
	s7 =	sshll.u32 @p0 s5, $0x11  }
0xaa: {  	s6 =	sor.u32 @p0 s7, s6  }
0xab: {  	[sflag:s6] =	ssyncadd.remote.s32 @p0 $0x1;
	_ =	sdelay $0x1  }
0xac: {  	s6 =	simm.s32 @p0 $0x1B8D  }
0xad: {  	_ =	swait.eq @p0 [sflag:s6], $0x1  }
0xae: {  	[sflag:s6] =	ssyncadd.s32 @p0 $0xFFFFFFFF  }
0xaf: {  	s7 =	sshll.u32 @!p0 s1, $0xE  }
0xb0: {  	s7 =	sor.u32 @!p0 $0x4000, s7;
	s6 =	simm.s32 @!p0 $0x1B8D  }
0xb1: {  	s5 =	sshll.u32 @!p0 s5, $0x11;
	s7 =	sadd.s32 @!p0 $0x11B8D, s7;
	_ =	swait.eq @!p0 [sflag:s6], $0x1  }
0xb2: {  	s5 =	sor.u32 @!p0 s5, s7;
	[sflag:s6] =	ssyncadd.s32 @!p0 $0xFFFFFFFF  }
0xb3: {  	s25 =	simm.s32 $0x1B8E;
	s24 =	sld [smem:$0x3FFE];
	[sflag:s5] =	ssyncadd.remote.s32 @!p0 $0x1  }
0xb4: {  	s26 =	simm.s32 $execute0_lowered;
	[smem:$0x3FD2] =	sst s25  }
0xb5: {  	s6 =	sshll.u32 s26, $0x1;
	_ =	strace $0x80000049;
	[dreg:$0x1] =	wrdreg $0xFFFFFFFF  }
0xb6: {  	s28 =	simm.s32 $_size_execute0_lowered;
	s4 =	sadd.s32 s4, s6;
	[dreg:$0x0] =	wrdreg $0x0  }
0xb7: {  	s6 =	sshll.u32 s28, $0x1;
	[dreg:$0x2] =	wrdreg s4  }
0xb8: {  	[dreg:$0x3] =	wrdreg s6  }
0xb9: {  	[dreg:$0x4] =	wrdreg $0xC0  }
0xba: {  	_ =	task [dreg:s22], $0x5FFFF  }
0xbb: {  	[dreg:$0x1] =	wrdreg $0xFFFFFFFF  }
0xbc: {  	[dreg:$0x0] =	wrdreg $0x60  }
0xbd: {  	[dreg:$0x2] =	wrdreg s18  }
0xbe: {  	[dreg:$0x3] =	wrdreg s24  }
0xbf: {  	[dreg:$0x4] =	wrdreg $0x9  }
0xc0: {  	_ =	task.clear_ibuf [dreg:s22], $0x5FFFF;
	_ =	strace $0x90000049  }
0xc1: {  	s29 =	simm.s32 $0x9;
	_ =	strace $0x8000004B  }
0xc2: {  	_ =	swait.ge [sflag:s29], $0x1  }
0xc3: {  	[sflag:s29] =	ssyncadd.s32 $0xFFFFFFFF  }
0xc4: {  	_ =	strace $0x9000004B  }
0xc5: {  	_ =	sfence  }
0xc6: {  	s30 =	sld [smem:$0x0];
	_ =	sdelay $0x2  }
0xc7: {  	s31 =	sshll.u32 s1, $0xD;
	s1 =	sshrl.u32 s1, $0x2  }
0xc8: {  	s4 =	sand.u32 $0x4000, s31;
	s1 =	sadd.s32 s1, s30  }
0xc9: {  	s0 =	sor.u32 s4, s0;
	s1 =	sshll.u32 s1, $0x11  }
0xca: {  	s0 =	sor.u32 s1, s0  }
0xcb: {  	s0 =	sadd.s32 $0x8F2B, s0  }
0xcc: {  	[sflag:s0] =	ssyncadd.remote.s32 $0x1  }
0xcd: {  	_ =	sfence.sel $0xFFFF  }
0xce: {  	[dreg:$0x0] =	wrdreg $0xFFFFFFFF;
	(pc) =	sbr.abs _section_cstart, $3  }
0xcf: {  	[dreg:$0x1] =	wrdreg $0xFFFFFFFF  }
0xd0: {  	_ =	task.clear_ibuf [dreg:s22], $0x2FFFF;
	_ =	strace $0x9FFFFFFF  }
0xd1: {  	(tm) =	ssettm $0x7FFFFFFF  }
tec
execute0_lowered:
.L_overlay_start_1:
0x0: {  	(tag) =	ssettag $0x1  }
0x1: {  	s2 =	rddreg [dreg:$0x0];
	s1 =	srdreg.scid  }
0x2: {  	s0 =	stileid.u32;
	s4 =	rddreg [dreg:$0x1];
	s3 =	simm.s32 $0x0  }
0x3: {  	s12 =	simm.s32 $0x3C00;
	s13 =	simm.s32 $0x1;
	s14 =	simm.s32 $0x3  }
0x4: {  	s15 =	simm.s32 $0x2;
	s16 =	simm.s32 $0x4;
	s17 =	simm.s32 $0x2780  }
0x5: {  	s18 =	simm.s32 $0x0;
	s5 =	sand.u32 $0x1, s1;
	s6 =	sshll.u32 s0, $0x1  }
0x6: {  	s1 =	rddreg [dreg:$0x2];
	s10 =	smul.u32 $0x19000, s0;
	s6 =	sor.u32 s5, s6  }
0x7: {  	[smem:$0x7FF] =	sst s3;
	s9 =	sadd.s32 $0xF4400, s4;
	s7 =	smul.u32 $0x500, s6  }
0x8: {  	_ =	strace $0x8000004A;
	s8 =	ssub.s32 $0x2, s5;
	s6 =	smul.u32 $0x64000, s6  }
0x9: {  	s11 =	smul.u32 $0xC800, s5;
	s31 =	sshrl.u32 s8, $0x1;
	s7 =	sadd.s32 s7, s4  }
0xa: {  	s8 =	ssub.s32 s8, s31;
	s6 =	sshrl.u32 s6, $0x3;
	s4 =	sadd.s32 $0xEA400, s7  }
0xb: {  	s6 =	sadd.s32 s9, s6;
	s9 =	sadd.s32 s10, s9;
	s7 =	smax.u32 s8, $0x1  }
0xc: {  	s10 =	simm.s32 $0x28;
	s5 =	sadd.s32 $0xC300, s6;
	s6 =	sadd.s32 $0xC580, s6  }
0xd: {  	s8 =	sadd.s32 s11, s9;
	s9 =	simm.s32 $0x5;
	s11 =	simm.s32 $0x2800  }
.LBB2_1:
0xe: {  	[tilespmem:s3], [sflag:$0x5] =	stream.linear.gather [hbm4b:s4+s3], $0x2800, $0x38;
	[tilespmem:$0x5000] =	vst v63  }
0xf: {  	_ =	swait.ge [sflag:s9], $0x2800  }
0x10: {  	[sflag:s9] =	ssyncset.done $0x0  }
0x11: {  	[sflag:s9] =	ssyncadd.s32 $0xFFFFD800  }
0x12: {  	[tilespmem:s11], [sflag:$0x1] =	stream.indirect.gather [hbm4b:s2+s10], $0x80, s3, s10, $0xb8;
	[tilespmem:$0x5000] =	vst v63  }
0x13: {  	s19 =	simm.s32 $0x80  }
0x14: {  	[tilespmem:s12], [sflag:$0x2] =	stream.indirect.gather [hbm4b:s2+s10], $0x80, s19, s10, $0xb8;
	[tilespmem:$0x5000] =	vst v63  }
0x15: {  	_ =	swait.ge [sflag:s13], $0x1400  }
0x16: {  	[sflag:s13] =	ssyncset.done $0x0  }
0x17: {  	s31 =	sadd.s32 $0x0, s8;
	[sflag:s13] =	ssyncadd.s32 $0xFFFFEC00  }
0x18: {  	[hbm4b:s31+s3] =	stream.linear.scatter [tilespmem:s11], [sflag:$0x3], $0x1400, $0x38;
	[tilespmem:$0x5000] =	vst v63  }
0x19: {  	_ =	swait.ge [sflag:s14], $0x1400  }
0x1a: {  	[sflag:s14] =	ssyncset.done $0x0  }
0x1b: {  	s20 =	simm.s32 $0x100;
	[sflag:s14] =	ssyncadd.s32 $0xFFFFEC00  }
0x1c: {  	[tilespmem:s11], [sflag:$0x1] =	stream.indirect.gather [hbm4b:s2+s10], $0x80, s20, s10, $0xb8;
	[tilespmem:$0x5000] =	vst v63  }
0x1d: {  	_ =	swait.ge [sflag:s15], $0x1400  }
0x1e: {  	[sflag:s15] =	ssyncset.done $0x0  }
0x1f: {  	s19 =	sadd.s32 $0x280, s31;
	[sflag:s15] =	ssyncadd.s32 $0xFFFFEC00  }
0x20: {  	[hbm4b:s19+s3] =	stream.linear.scatter [tilespmem:s12], [sflag:$0x4], $0x1400, $0x38;
	[tilespmem:$0x5000] =	vst v63  }
0x21: {  	s21 =	simm.s32 $0xA00;
	_ =	swait.ge [sflag:s16], $0x1400  }
0x22: {  	s20 =	simm.s32 $0x500;
	s19 =	simm.s32 $0x200;
	[sflag:s16] =	ssyncset.done $0x0  }
.LBB2_2:
0x23: {  	p0 =	sne.s32 s21, $0xBE00;
	s22 =	sadd.s32 $0xFFFFFF80, s19;
	[sflag:s16] =	ssyncadd.s32 $0xFFFFEC00  }
0x24: {  	[tilespmem:s12], [sflag:$0x2] =	stream.indirect.gather [hbm4b:s2+s10], $0x80, s22, s10, $0xb8;
	[tilespmem:$0x5000] =	vst v63  }
0x25: {  	s22 =	smov.u32 s21;
	s21 =	sadd.s32 $0x500, s21;
	_ =	swait.ge [sflag:s13], $0x1400  }
0x26: {  	[sflag:s13] =	ssyncset.done $0x0  }
0x27: {  	s23 =	sadd.s32 s20, s8;
	s20 =	smov.u32 s22;
	[sflag:s13] =	ssyncadd.s32 $0xFFFFEC00  }
0x28: {  	[hbm4b:s23+s3] =	stream.linear.scatter [tilespmem:s11], [sflag:$0x3], $0x1400, $0x38;
	[tilespmem:$0x5000] =	vst v63  }
0x29: {  	_ =	swait.ge [sflag:s14], $0x1400  }
0x2a: {  	[sflag:s14] =	ssyncset.done $0x0  }
0x2b: {  	[sflag:s14] =	ssyncadd.s32 $0xFFFFEC00  }
0x2c: {  	[tilespmem:s11], [sflag:$0x1] =	stream.indirect.gather [hbm4b:s2+s10], $0x80, s19, s10, $0xb8;
	[tilespmem:$0x5000] =	vst v63  }
0x2d: {  	_ =	swait.ge [sflag:s15], $0x1400  }
.Ltmp0:
0x2e: {  	[sflag:s15] =	ssyncset.done $0x0;
	(pc) =	sbr.rel @p0 .LBB2_2-.Ltmp0, $4  }
0x2f: {  	s22 =	sadd.s32 $0x280, s23;
	[sflag:s15] =	ssyncadd.s32 $0xFFFFEC00  }
0x30: {  	[hbm4b:s22+s3] =	stream.linear.scatter [tilespmem:s12], [sflag:$0x4], $0x1400, $0x38;
	[tilespmem:$0x5000] =	vst v63  }
0x31: {  	_ =	swait.ge [sflag:s16], $0x1400  }
0x32: {  	s19 =	sadd.s32 $0x100, s19;
	[sflag:s16] =	ssyncset.done $0x0  }
0x33: {  	s21 =	sadd.s32 $0xFFFFFF80, s19;
	[sflag:s16] =	ssyncadd.s32 $0xFFFFEC00  }
0x34: {  	[tilespmem:s12], [sflag:$0x2] =	stream.indirect.gather [hbm4b:s2+s10], $0x80, s21, s10, $0xb8;
	[tilespmem:$0x5000] =	vst v63  }
0x35: {  	_ =	swait.ge [sflag:s13], $0x1400  }
0x36: {  	[sflag:s13] =	ssyncset.done $0x0  }
0x37: {  	s20 =	sadd.s32 s20, s8;
	[sflag:s13] =	ssyncadd.s32 $0xFFFFEC00  }
0x38: {  	[hbm4b:s20+s3] =	stream.linear.scatter [tilespmem:s11], [sflag:$0x3], $0x1400, $0x38;
	[tilespmem:$0x5000] =	vst v63  }
0x39: {  	_ =	swait.ge [sflag:s14], $0x1400  }
0x3a: {  	[sflag:s14] =	ssyncset.done $0x0  }
0x3b: {  	[sflag:s14] =	ssyncadd.s32 $0xFFFFEC00  }
0x3c: {  	[tilespmem:s11], [sflag:$0x1] =	stream.indirect.gather [hbm4b:s2+s10], $0x80, s19, s10, $0xb8;
	[tilespmem:$0x5000] =	vst v63  }
0x3d: {  	_ =	swait.ge [sflag:s15], $0x1400  }
0x3e: {  	[sflag:s15] =	ssyncset.done $0x0  }
0x3f: {  	s31 =	sadd.s32 $0x280, s20;
	[sflag:s15] =	ssyncadd.s32 $0xFFFFEC00  }
0x40: {  	[hbm4b:s31+s3] =	stream.linear.scatter [tilespmem:s12], [sflag:$0x4], $0x1400, $0x38;
	[tilespmem:$0x5000] =	vst v63  }
0x41: {  	_ =	swait.ge [sflag:s16], $0x1400  }
0x42: {  	[sflag:s16] =	ssyncset.done $0x0  }
0x43: {  	[sflag:s16] =	ssyncadd.s32 $0xFFFFEC00  }
0x44: {  	[tilespmem:s12], [sflag:$0x2] =	stream.indirect.gather [hbm4b:s2+s10], $0x80, s17, s10, $0xb8;
	[tilespmem:$0x5000] =	vst v63  }
0x45: {  	_ =	swait.ge [sflag:s13], $0x1400  }
0x46: {  	[sflag:s13] =	ssyncset.done $0x0  }
0x47: {  	[sflag:s13] =	ssyncadd.s32 $0xFFFFEC00  }
0x48: {  	[hbm4b:s5+s3] =	stream.linear.scatter [tilespmem:s11], [sflag:$0x3], $0x1400, $0x38;
	[tilespmem:$0x5000] =	vst v63  }
0x49: {  	_ =	swait.ge [sflag:s14], $0x1400  }
0x4a: {  	[sflag:s14] =	ssyncset.done $0x0  }
0x4b: {  	[sflag:s14] =	ssyncadd.s32 $0xFFFFEC00  }
0x4c: {  	s18 =	sadd.s32 $0x1, s18;
	_ =	swait.ge [sflag:s15], $0x1400  }
0x4d: {  	p0 =	sne.s32 s18, s7;
	[sflag:s15] =	ssyncset.done $0x0  }
.Ltmp1:
0x4e: {  	[sflag:s15] =	ssyncadd.s32 $0xFFFFEC00;
	(pc) =	sbr.rel @p0 .LBB2_1-.Ltmp1, $4  }
0x4f: {  	[hbm4b:s6+s3] =	stream.linear.scatter [tilespmem:s12], [sflag:$0x4], $0x1400, $0x38;
	[tilespmem:$0x5000] =	vst v63  }
0x50: {  	_ =	swait.ge [sflag:s16], $0x1400  }
0x51: {  	[sflag:s16] =	ssyncset.done $0x0  }
0x52: {  	[sflag:s16] =	ssyncadd.s32 $0xFFFFEC00  }
0x53: {  	_ =	sfence.sel $0x180000  }
0x54: {  	[bflag:$0x0] =	sbarrier.arrive $0xFFFF  }
0x55: {  	p0 =	sne.s32 s0, $0x0;
	_ =	strace $0x9000004A  }
0x56: {  	s0 =	sadd.s32 @!p0 $0x100000, s1;
	[bflag:$0x2] =	sbarrier.arrive $0xFFFF  }
0x57: {  	[sflag:s0] =	ssyncadd.tile.s32 @!p0 $0x1;
	_ =	shalt  }
.Lfunc_end2:
_tile_overlayer_lowered:
.L_overlay_start_2:
0x58: {  	(tag) =	ssettag $0x2  }
0x59: {  	s0 =	rddreg [dreg:$0x0];
	s2 =	stileid.u32  }
0x5a: {  	s1 =	rddreg [dreg:$0x1];
	p0 =	sne.s32 s2, $0x0  }
0x5b: {  	s3 =	rddreg [dreg:$0x2];
	[bflag:$0x3] =	sbarrier.arrive $0xFFFF;
	s2 =	simm.s32 @!p0 $0x1C05  }
0x5c: {  	[timem:s3], [sflag:s2] =	dma.local @!p0 [hbm:s0], s1  }
0x5d: {  	s0 =	simm.s32 @!p0 $0x5  }
0x5e: {  	_ =	swait.ge @!p0 [sflag:s0], s1  }
0x5f: {  	s1 =	ssub.s32 @!p0 $0x0, s1;
	[sflag:s0] =	ssyncset.done @!p0 $0x0  }
0x60: {  	[sflag:s0] =	ssyncadd.s32 @!p0 s1  }
0x61: {  	[bflag:$0x3] =	sbarrier.arrive $0xFFFF  }
0x62: {  	_ =	shalt  }

</sc_bundles>
